<compile_context>
chip_gen: v7x
topology: tpu7x:2x2x1
jax: 0.10.2.dev20260603
libtpu: 0.0.44.dev20260713+nightly
codegen_flags: <defaults>
</compile_context>

<pallas_src>
import functools

import jax
import jax.numpy as jnp
from jax import lax
from jax.experimental import pallas as pl
from jax.experimental.pallas import tpu as pltpu
from jax.experimental.pallas import tpu_sc as plsc

N_NODES = 10000
N_EDGES = 320000
D = 128
CHUNK = 128
N_CHUNKS = N_EDGES // CHUNK
NC = 2
NS = 16
NW = NC * NS
N_PAD = 10240
ROWS_PER_TILE = N_PAD // NS
MAX_CH = 79
RING = 3
BLOCKS = (MAX_CH + RING - 1) // RING

_sc_mesh = plsc.VectorSubcoreMesh(core_axis_name="c", subcore_axis_name="s",
                                  num_cores=NC, num_subcores=NS)


def _deg_body(ei_hbm, out_hbm, idx_v, hist_v, red_v, outloc_v, stage_sh, sem):
    c = lax.axis_index("c")
    s = lax.axis_index("s")
    wid = s * NC + c
    zero16 = jnp.zeros((16,), jnp.float32)
    ones16 = jnp.full((16,), 1.0, jnp.float32)

    eoff = pl.multiple_of(N_EDGES + wid * (N_EDGES // NW), 8)
    idx_dma = pltpu.async_copy(ei_hbm.at[pl.ds(eoff, N_EDGES // NW)], idx_v,
                               sem)

    def zbody(i, carry):
        hist_v[pl.ds(pl.multiple_of(i * 16, 16), 16)] = zero16
        return carry

    lax.fori_loop(0, N_PAD // 16, zbody, 0)
    idx_dma.wait()

    def body(m, carry):
        idx16 = idx_v[pl.ds(pl.multiple_of(m * 16, 16), 16)]
        plsc.addupdate_scatter(hist_v, [idx16], ones16)
        return carry

    lax.fori_loop(0, N_EDGES // NW // 16, body, 0)

    pltpu.sync_copy(hist_v, stage_sh.at[s])
    plsc.subcore_barrier()
    rbase = pl.multiple_of(s * ROWS_PER_TILE, 8)
    pltpu.sync_copy(stage_sh.at[:, pl.ds(rbase, ROWS_PER_TILE)], red_v)
    lane0 = jnp.zeros((16,), jnp.int32)

    def rbody(m, carry):
        o = pl.multiple_of(m * 16, 16)
        acc = red_v[0, pl.ds(o, 16)]
        for t in range(1, NS):
            acc = acc + red_v[t, pl.ds(o, 16)]
        rows = m * 16 + lax.iota(jnp.int32, 16)
        plsc.store_scatter(outloc_v, [rows, lane0], acc)
        return carry

    lax.fori_loop(0, ROWS_PER_TILE // 16, rbody, 0)
    pltpu.sync_copy(outloc_v, out_hbm.at[c, pl.ds(rbase, ROWS_PER_TILE)])


_deg_call = functools.partial(
    pl.kernel,
    out_type=jax.ShapeDtypeStruct((NC, N_PAD, D), jnp.float32),
    mesh=_sc_mesh,
    scratch_types=[
        pltpu.VMEM((N_EDGES // NW,), jnp.int32),
        pltpu.VMEM((N_PAD,), jnp.float32),
        pltpu.VMEM((NS, ROWS_PER_TILE), jnp.float32),
        pltpu.VMEM((ROWS_PER_TILE, D), jnp.float32),
        pltpu.VMEM_SHARED((NS, N_PAD), jnp.float32),
        pltpu.SemaphoreType.DMA,
    ],
    compiler_params=pltpu.CompilerParams(needs_layout_passes=False,
                                         use_tc_tiling_on_sc=False),
)(_deg_body)


MSG_RPT = 632


def _msg_body(ei_hbm, g_hbm, out_hbm, *refs):
    ridx = refs[0:RING]
    cidx = refs[RING:2 * RING]
    bufs = refs[2 * RING:3 * RING]
    acc_sh = refs[3 * RING]
    gsem = refs[3 * RING + 1]
    ssem = refs[3 * RING + 2]
    isem = refs[3 * RING + 3]

    c = lax.axis_index("c")
    s = lax.axis_index("s")
    wid = s * NC + c
    base = pl.multiple_of(s * MSG_RPT, 8)
    count = (N_CHUNKS - wid + NW - 1) // NW

    def fill_r(j, k):
        off = pl.multiple_of((wid + j * NW) * CHUNK, 8)
        pltpu.async_copy(ei_hbm.at[pl.ds(off, CHUNK)], ridx[k], isem.at[k])

    def fill_c(j, k):
        off = pl.multiple_of((wid + j * NW) * CHUNK, 8)
        pltpu.async_copy(ei_hbm.at[pl.ds(N_EDGES + off, CHUNK)], cidx[k],
                         isem.at[k])

    def fill(j, k):
        fill_r(j, k)
        fill_c(j, k)

    def iwait(k):
        pltpu.make_async_copy(ei_hbm.at[pl.ds(0, CHUNK)], ridx[k],
                              isem.at[k]).wait()
        pltpu.make_async_copy(ei_hbm.at[pl.ds(0, CHUNK)], cidx[k],
                              isem.at[k]).wait()

    def gather(k):
        pltpu.async_copy(g_hbm.at[ridx[k]], bufs[k], gsem.at[k])

    def gwait(k):
        pltpu.make_async_copy(g_hbm.at[pl.ds(0, CHUNK)], bufs[k],
                              gsem.at[k]).wait()

    def scat(k):
        pltpu.async_copy(bufs[k], acc_sh.at[cidx[k]], ssem.at[k], add=True)

    def swait(k):
        pltpu.make_async_copy(bufs[k], acc_sh.at[cidx[k]], ssem.at[k]).wait()

    for k in range(RING):
        fill(k, k)

    zero16 = jnp.zeros((16,), jnp.float32)

    def zrow(r, carry):
        for k8 in range(D // 16):
            bufs[0][r, pl.ds(k8 * 16, 16)] = zero16
        return carry

    lax.fori_loop(0, CHUNK, zrow, 0)
    for t in range(4):
        pltpu.sync_copy(bufs[0], acc_sh.at[pl.ds(base + t * CHUNK, CHUNK)])

    @pl.when(s < NS - 1)
    def _():
        pltpu.sync_copy(bufs[0].at[pl.ds(0, MSG_RPT - 4 * CHUNK)],
                        acc_sh.at[pl.ds(base + 4 * CHUNK,
                                        MSG_RPT - 4 * CHUNK)])

    @pl.when(s == NS - 1)
    def _():
        pltpu.sync_copy(bufs[0].at[pl.ds(0, N_NODES - 15 * MSG_RPT - 4 * CHUNK)],
                        acc_sh.at[pl.ds(base + 4 * CHUNK,
                                        N_NODES - 15 * MSG_RPT - 4 * CHUNK)])

    plsc.subcore_barrier()

    for k in range(RING):
        iwait(k)
        gather(k)

    def block(b, carry):
        jb = b * RING
        for k in range(RING):
            def consume(k=k):
                gwait(k)
                scat(k)
            pl.when(jb + k < count)(consume)
        for k in range(RING):
            jn = jb + RING + k

            def refill(jn=jn, k=k):
                fill_r(jn, k)
                swait(k)
                fill_c(jn, k)
                iwait(k)
                gather(k)
            pl.when(jn < count)(refill)
        return carry

    lax.fori_loop(0, BLOCKS, block, 0)
    for k in range(RING):
        pl.when(k < count)(functools.partial(swait, k))
    plsc.subcore_barrier()

    @pl.when(s < NS - 1)
    def _():
        sl = pl.ds(base, MSG_RPT)
        pltpu.sync_copy(acc_sh.at[sl], out_hbm.at[c, sl])

    @pl.when(s == NS - 1)
    def _():
        sl = pl.ds(base, N_NODES - 15 * MSG_RPT)
        pltpu.sync_copy(acc_sh.at[sl], out_hbm.at[c, sl])


_msg_call = functools.partial(
    pl.kernel,
    out_type=jax.ShapeDtypeStruct((NC, N_NODES, D), jnp.float32),
    mesh=_sc_mesh,
    scratch_types=(
        [pltpu.VMEM((CHUNK,), jnp.int32)] * (2 * RING)
        + [pltpu.VMEM((CHUNK, D), jnp.float32)] * RING
        + [
            pltpu.VMEM_SHARED((N_NODES, D), jnp.float32),
            pltpu.SemaphoreType.DMA((RING,)),
            pltpu.SemaphoreType.DMA((RING,)),
            pltpu.SemaphoreType.DMA((RING,)),
        ]
    ),
)(_msg_body)


TC_BLK = 2000


def _g_body(x_ref, w_ref, b_ref, degp_ref, g_ref):
    h = lax.dot_general(x_ref[...], w_ref[...],
                        (((1,), (1,)), ((), ())),
                        preferred_element_type=jnp.float32) + b_ref[...]
    d = degp_ref[0, :, :1] + degp_ref[1, :, :1]
    dis = jnp.where(d > 0, lax.rsqrt(d), 0.0)
    g_ref[...] = h * dis


def _g_call(x, W, b2d, degp):
    return pl.pallas_call(
        _g_body,
        grid=(N_NODES // TC_BLK,),
        in_specs=[
            pl.BlockSpec((TC_BLK, D), lambda i: (i, 0)),
            pl.BlockSpec((D, D), lambda i: (0, 0)),
            pl.BlockSpec((1, D), lambda i: (0, 0)),
            pl.BlockSpec((NC, TC_BLK, D), lambda i: (0, i, 0)),
        ],
        out_specs=pl.BlockSpec((TC_BLK, D), lambda i: (i, 0)),
        out_shape=jax.ShapeDtypeStruct((N_NODES, D), jnp.float32),
    )(x, W, b2d, degp)


def _out_body(p_ref, degp_ref, o_ref):
    d = degp_ref[0, :, :1] + degp_ref[1, :, :1]
    dis = jnp.where(d > 0, lax.rsqrt(d), 0.0)
    o_ref[...] = (p_ref[0] + p_ref[1]) * dis


def _out_call(partial, degp):
    return pl.pallas_call(
        _out_body,
        grid=(N_NODES // TC_BLK,),
        in_specs=[
            pl.BlockSpec((NC, TC_BLK, D), lambda i: (0, i, 0)),
            pl.BlockSpec((NC, TC_BLK, D), lambda i: (0, i, 0)),
        ],
        out_specs=pl.BlockSpec((TC_BLK, D), lambda i: (i, 0)),
        out_shape=jax.ShapeDtypeStruct((N_NODES, D), jnp.float32),
    )(partial, degp)


def kernel(x, edge_index, W, b):
    ei1d = edge_index.reshape(2 * N_EDGES)
    degp = _deg_call(ei1d)
    g = _g_call(x, W, b.reshape(1, D), degp)
    partial = _msg_call(ei1d, g)
    return _out_call(partial, degp)

# --- scband reference (transcript-rebuilt; emitter-appended) ---
"""Pipeline reference for scband-simple-gcnconv-33947421507737 (READ-ONLY COPY).

The authoritative reference and input builder live on the scoring server;
editing this copy changes nothing except your own understanding.
"""

import jax, jax.numpy as jnp
import numpy as np

N_NODES = 10000
N_EDGES = 320000
D_IN = 128
D_OUT = 128


def setup_inputs(seed: int = 0) -> dict:
    key = jax.random.key(seed)
    k1, k2, k3, k4 = jax.random.split(key, 4)
    x = jax.random.normal(k1, (N_NODES, D_IN), dtype=jnp.float32)
    edge_index = jax.random.randint(k2, (2, N_EDGES), 0, N_NODES, dtype=jnp.int32)
    # nn.Linear(in_dim, out_dim) parameters
    bound = 1.0 / np.sqrt(D_IN)
    W = jax.random.uniform(k3, (D_OUT, D_IN), minval=-bound, maxval=bound, dtype=jnp.float32)
    b = jax.random.uniform(k4, (D_OUT,), minval=-bound, maxval=bound, dtype=jnp.float32)
    return {"x": x, "edge_index": edge_index, "W": W, "b": b}


def reference(x, edge_index, W, b):
    row = edge_index[0]
    col = edge_index[1]
    # degree via scatter-add of ones onto destination nodes
    deg = jnp.zeros((x.shape[0],), dtype=x.dtype).at[col].add(
        jnp.ones((col.shape[0],), dtype=x.dtype))
    # deg ** -0.5 with inf (deg == 0) replaced by 0
    deg_inv_sqrt = jnp.where(deg > 0, deg ** -0.5, jnp.zeros_like(deg))
    norm = deg_inv_sqrt[row] * deg_inv_sqrt[col]
    # linear transform
    h = x @ W.T + b
    # gather messages from source nodes, scale, scatter-add into destination nodes
    out = jnp.zeros_like(h).at[col].add(h[row] * norm[:, None])
    return out

if __name__ == "__main__":
    import jax
    _d = setup_inputs()
    print(jax.jit(kernel)(*tuple(_d.values())))

</pallas_src>

<mosaic_0001>
#map = affine_map<(d0, d1) -> (0)>
#map1 = affine_map<(d0, d1) -> (0, 0, 0)>
module attributes {stable_mosaic.version = 14 : i64} {
  func.func @_deg_body(%arg0: i32, %arg1: i32, %arg2: memref<640000xi32, #tpu.memory_space<hbm>>, %arg3: memref<2x10240x128xf32, #tpu.memory_space<hbm>>, %arg4: memref<10000xi32, #tpu.memory_space<vmem>>, %arg5: memref<10240xf32, #tpu.memory_space<vmem>>, %arg6: memref<16x640xf32, #tpu.memory_space<vmem>>, %arg7: memref<640x128xf32, #tpu.memory_space<vmem>>, %arg8: memref<16x10240xf32, #tpu.memory_space<vmem_shared>>, %arg9: memref<!tpu.dma_semaphore, #tpu.memory_space<semaphore_mem>>) attributes {dimension_semantics = [#tpu.dimension_semantics<core_parallel>, #tpu.dimension_semantics<subcore_parallel>], iteration_bounds = array<i64: 2, 16>, scalar_prefetch = 0 : i64, scratch_operands = 6 : i64, tpu.core_type = #tpu.core_type<sc_vector_subcore>, window_params = [{transform_indices = #map}, {transform_indices = #map1}]} {
    %mul3A = arith.constant 2 : i32
    %mul3A_0 = arith.muli %arg1, %mul3A : i32
    %add3A = arith.addi %mul3A_0, %arg0 : i32
    %broadcast_in_dim3A = arith.constant 0.000000e+00 : f32
    %broadcast_in_dim3A_1 = vector.broadcast %broadcast_in_dim3A : f32 to vector<16xf32>
    %broadcast_in_dim3A_2 = arith.constant 1.000000e+00 : f32
    %broadcast_in_dim3A_3 = vector.broadcast %broadcast_in_dim3A_2 : f32 to vector<16xf32>
    %mul3A_4 = arith.constant 10000 : i32
    %mul3A_5 = arith.muli %add3A, %mul3A_4 : i32
    %add3A_6 = arith.constant 320000 : i32
    %add3A_7 = arith.addi %add3A_6, %mul3A_5 : i32
    %multiple_of3A = tpu.assume_multiple %add3A_7, 8 : i32
    %dma_start3A = tpu.memref_slice %arg2[%multiple_of3A] : memref<640000xi32, #tpu.memory_space<hbm>> -> memref<10000xi32, #tpu.memory_space<hbm>>
    %dma_start3A_8 = tpu.memref_slice %arg2[%multiple_of3A] : memref<640000xi32, #tpu.memory_space<hbm>> -> memref<10000xi32, #tpu.memory_space<hbm>>
    tpu.enqueue_dma source(%dma_start3A_8 : memref<10000xi32, #tpu.memory_space<hbm>>) target(%arg4 : memref<10000xi32, #tpu.memory_space<vmem>>) target_semaphore(%arg9 : memref<!tpu.dma_semaphore, #tpu.memory_space<semaphore_mem>>)
    %scan3A = arith.constant 0 : i32
    %scan3A_9 = arith.constant 0 : i32
    %scan3A_10 = arith.constant 640 : i32
    %scan3A_11 = arith.addi %scan3A_9, %scan3A_10 : i32
    %scan3A_12 = arith.constant 1 : i32
    scf.for %scan3A_32 = %scan3A_9 to %scan3A_11 step %scan3A_12  : i32 {
      %mul3A_33 = arith.constant 16 : i32
      %mul3A_34 = arith.muli %scan3A_32, %mul3A_33 : i32
      %multiple_of3A_35 = tpu.assume_multiple %mul3A_34, 16 : i32
      %swap3A = arith.index_cast %multiple_of3A_35 : i32 to index
      %swap3A_36 = tpu.vector_load %arg5[%swap3A] {strides = array<i32>} : memref<10240xf32, #tpu.memory_space<vmem>>, vector<16xf32>,
      tpu.vector_store %arg5[%swap3A], %broadcast_in_dim3A_1 {strides = array<i32>} : memref<10240xf32, #tpu.memory_space<vmem>>, vector<16xf32>,
    }
    %scan3A_13 = arith.constant 640 : i32
    %dma_wait3A = tpu.memref_slice %arg2[%multiple_of3A] : memref<640000xi32, #tpu.memory_space<hbm>> -> memref<10000xi32, #tpu.memory_space<hbm>>
    %dma_wait3A_14 = tpu.memref_slice %arg2[%multiple_of3A] : memref<640000xi32, #tpu.memory_space<hbm>> -> memref<10000xi32, #tpu.memory_space<hbm>>
    tpu.wait_dma2 semaphore(%arg9 : memref<!tpu.dma_semaphore, #tpu.memory_space<semaphore_mem>>) src(%dma_wait3A_14 : memref<10000xi32, #tpu.memory_space<hbm>>) dst(%arg4 : memref<10000xi32, #tpu.memory_space<vmem>>)
    %scan3A_15 = arith.constant 0 : i32
    %scan3A_16 = arith.constant 0 : i32
    %scan3A_17 = arith.constant 625 : i32
    %scan3A_18 = arith.addi %scan3A_16, %scan3A_17 : i32
    %scan3A_19 = arith.constant 1 : i32
    scf.for %scan3A_32 = %scan3A_16 to %scan3A_18 step %scan3A_19  : i32 {
      %mul3A_33 = arith.constant 16 : i32
      %mul3A_34 = arith.muli %scan3A_32, %mul3A_33 : i32
      %multiple_of3A_35 = tpu.assume_multiple %mul3A_34, 16 : i32
      %get3A = arith.index_cast %multiple_of3A_35 : i32 to index
      %get3A_36 = tpu.vector_load %arg4[%get3A] {strides = array<i32>} : memref<10000xi32, #tpu.memory_space<vmem>>, vector<16xi32>,
      tpu.vector_store_idx %arg5[%get3A_36], %broadcast_in_dim3A_3 {add = true} : memref<10240xf32, #tpu.memory_space<vmem>>[vector<16xi32>], vector<16xf32>,
    }
    %scan3A_20 = arith.constant 625 : i32
    "tpu.region"() ({
      %run_scoped3A = tpu.sem_alloc : memref<!tpu.dma_semaphore, #tpu.memory_space<semaphore_mem>>
      %dma_start3A_32 = arith.constant 0 : i32
      %dma_start3A_33 = tpu.memref_slice %arg8[%arg1, %dma_start3A_32] : memref<16x10240xf32, #tpu.memory_space<vmem_shared>> -> memref<1x10240xf32, #tpu.memory_space<vmem_shared>>
      %dma_start3A_34 = tpu.memref_squeeze %dma_start3A_33 : memref<1x10240xf32, #tpu.memory_space<vmem_shared>> -> memref<10240xf32, #tpu.memory_space<vmem_shared>>
      %dma_start3A_35 = arith.constant 0 : i32
      %dma_start3A_36 = tpu.memref_slice %arg8[%arg1, %dma_start3A_35] : memref<16x10240xf32, #tpu.memory_space<vmem_shared>> -> memref<1x10240xf32, #tpu.memory_space<vmem_shared>>
      %dma_start3A_37 = tpu.memref_squeeze %dma_start3A_36 : memref<1x10240xf32, #tpu.memory_space<vmem_shared>> -> memref<10240xf32, #tpu.memory_space<vmem_shared>>
      tpu.enqueue_dma source(%arg5 : memref<10240xf32, #tpu.memory_space<vmem>>) target(%dma_start3A_37 : memref<10240xf32, #tpu.memory_space<vmem_shared>>) target_semaphore(%run_scoped3A : memref<!tpu.dma_semaphore, #tpu.memory_space<semaphore_mem>>)
      %dma_wait3A_38 = arith.constant 0 : i32
      %dma_wait3A_39 = tpu.memref_slice %arg8[%arg1, %dma_wait3A_38] : memref<16x10240xf32, #tpu.memory_space<vmem_shared>> -> memref<1x10240xf32, #tpu.memory_space<vmem_shared>>
      %dma_wait3A_40 = tpu.memref_squeeze %dma_wait3A_39 : memref<1x10240xf32, #tpu.memory_space<vmem_shared>> -> memref<10240xf32, #tpu.memory_space<vmem_shared>>
      %dma_wait3A_41 = arith.constant 0 : i32
      %dma_wait3A_42 = tpu.memref_slice %arg8[%arg1, %dma_wait3A_41] : memref<16x10240xf32, #tpu.memory_space<vmem_shared>> -> memref<1x10240xf32, #tpu.memory_space<vmem_shared>>
      %dma_wait3A_43 = tpu.memref_squeeze %dma_wait3A_42 : memref<1x10240xf32, #tpu.memory_space<vmem_shared>> -> memref<10240xf32, #tpu.memory_space<vmem_shared>>
      tpu.wait_dma2 semaphore(%run_scoped3A : memref<!tpu.dma_semaphore, #tpu.memory_space<semaphore_mem>>) src(%arg5 : memref<10240xf32, #tpu.memory_space<vmem>>) dst(%dma_wait3A_43 : memref<10240xf32, #tpu.memory_space<vmem_shared>>)
      tpu.yield
    }) : () -> ()
    %barrier3A = arith.constant 0 : index
    tpu.barrier barrier_id(%barrier3A)
    %mul3A_21 = arith.constant 640 : i32
    %mul3A_22 = arith.muli %arg1, %mul3A_21 : i32
    %multiple_of3A_23 = tpu.assume_multiple %mul3A_22, 8 : i32
    "tpu.region"() ({
      %run_scoped3A = tpu.sem_alloc : memref<!tpu.dma_semaphore, #tpu.memory_space<semaphore_mem>>
      %dma_start3A_32 = arith.constant 0 : i32
      %dma_start3A_33 = tpu.memref_slice %arg8[%dma_start3A_32, %multiple_of3A_23] : memref<16x10240xf32, #tpu.memory_space<vmem_shared>> -> memref<16x640xf32, #tpu.memory_space<vmem_shared>>
      %dma_start3A_34 = arith.constant 0 : i32
      %dma_start3A_35 = tpu.memref_slice %arg8[%dma_start3A_34, %multiple_of3A_23] : memref<16x10240xf32, #tpu.memory_space<vmem_shared>> -> memref<16x640xf32, #tpu.memory_space<vmem_shared>>
      tpu.enqueue_dma source(%dma_start3A_35 : memref<16x640xf32, #tpu.memory_space<vmem_shared>>) target(%arg6 : memref<16x640xf32, #tpu.memory_space<vmem>>) target_semaphore(%run_scoped3A : memref<!tpu.dma_semaphore, #tpu.memory_space<semaphore_mem>>)
      %dma_wait3A_36 = arith.constant 0 : i32
      %dma_wait3A_37 = tpu.memref_slice %arg8[%dma_wait3A_36, %multiple_of3A_23] : memref<16x10240xf32, #tpu.memory_space<vmem_shared>> -> memref<16x640xf32, #tpu.memory_space<vmem_shared>>
      %dma_wait3A_38 = arith.constant 0 : i32
      %dma_wait3A_39 = tpu.memref_slice %arg8[%dma_wait3A_38, %multiple_of3A_23] : memref<16x10240xf32, #tpu.memory_space<vmem_shared>> -> memref<16x640xf32, #tpu.memory_space<vmem_shared>>
      tpu.wait_dma2 semaphore(%run_scoped3A : memref<!tpu.dma_semaphore, #tpu.memory_space<semaphore_mem>>) src(%dma_wait3A_39 : memref<16x640xf32, #tpu.memory_space<vmem_shared>>) dst(%arg6 : memref<16x640xf32, #tpu.memory_space<vmem>>)
      tpu.yield
    }) : () -> ()
    %broadcast_in_dim3A_24 = arith.constant 0 : i32
    %broadcast_in_dim3A_25 = vector.broadcast %broadcast_in_dim3A_24 : i32 to vector<16xi32>
    %scan3A_26 = arith.constant 0 : i32
    %scan3A_27 = arith.constant 0 : i32
    %scan3A_28 = arith.constant 40 : i32
    %scan3A_29 = arith.addi %scan3A_27, %scan3A_28 : i32
    %scan3A_30 = arith.constant 1 : i32
    scf.for %scan3A_32 = %scan3A_27 to %scan3A_29 step %scan3A_30  : i32 {
      %mul3A_33 = arith.constant 16 : i32
      %mul3A_34 = arith.muli %scan3A_32, %mul3A_33 : i32
      %multiple_of3A_35 = tpu.assume_multiple %mul3A_34, 16 : i32
      %get3A = arith.constant 0 : i32
      %get3A_36 = arith.index_cast %get3A : i32 to index
      %get3A_37 = arith.index_cast %multiple_of3A_35 : i32 to index
      %get3A_38 = tpu.vector_load %arg6[%get3A_36, %get3A_37] {strides = array<i32>} : memref<16x640xf32, #tpu.memory_space<vmem>>, vector<16xf32>,
      %get3A_39 = arith.constant 1 : i32
      %get3A_40 = arith.index_cast %get3A_39 : i32 to index
      %get3A_41 = arith.index_cast %multiple_of3A_35 : i32 to index
      %get3A_42 = tpu.vector_load %arg6[%get3A_40, %get3A_41] {strides = array<i32>} : memref<16x640xf32, #tpu.memory_space<vmem>>, vector<16xf32>,
      %add3A_43 = arith.addf %get3A_38, %get3A_42 : vector<16xf32>
      %get3A_44 = arith.constant 2 : i32
      %get3A_45 = arith.index_cast %get3A_44 : i32 to index
      %get3A_46 = arith.index_cast %multiple_of3A_35 : i32 to index
      %get3A_47 = tpu.vector_load %arg6[%get3A_45, %get3A_46] {strides = array<i32>} : memref<16x640xf32, #tpu.memory_space<vmem>>, vector<16xf32>,
      %add3A_48 = arith.addf %add3A_43, %get3A_47 : vector<16xf32>
      %get3A_49 = arith.constant 3 : i32
      %get3A_50 = arith.index_cast %get3A_49 : i32 to index
      %get3A_51 = arith.index_cast %multiple_of3A_35 : i32 to index
      %get3A_52 = tpu.vector_load %arg6[%get3A_50, %get3A_51] {strides = array<i32>} : memref<16x640xf32, #tpu.memory_space<vmem>>, vector<16xf32>,
      %add3A_53 = arith.addf %add3A_48, %get3A_52 : vector<16xf32>
      %get3A_54 = arith.constant 4 : i32
      %get3A_55 = arith.index_cast %get3A_54 : i32 to index
      %get3A_56 = arith.index_cast %multiple_of3A_35 : i32 to index
      %get3A_57 = tpu.vector_load %arg6[%get3A_55, %get3A_56] {strides = array<i32>} : memref<16x640xf32, #tpu.memory_space<vmem>>, vector<16xf32>,
      %add3A_58 = arith.addf %add3A_53, %get3A_57 : vector<16xf32>
      %get3A_59 = arith.constant 5 : i32
      %get3A_60 = arith.index_cast %get3A_59 : i32 to index
      %get3A_61 = arith.index_cast %multiple_of3A_35 : i32 to index
      %get3A_62 = tpu.vector_load %arg6[%get3A_60, %get3A_61] {strides = array<i32>} : memref<16x640xf32, #tpu.memory_space<vmem>>, vector<16xf32>,
      %add3A_63 = arith.addf %add3A_58, %get3A_62 : vector<16xf32>
      %get3A_64 = arith.constant 6 : i32
      %get3A_65 = arith.index_cast %get3A_64 : i32 to index
      %get3A_66 = arith.index_cast %multiple_of3A_35 : i32 to index
      %get3A_67 = tpu.vector_load %arg6[%get3A_65, %get3A_66] {strides = array<i32>} : memref<16x640xf32, #tpu.memory_space<vmem>>, vector<16xf32>,
      %add3A_68 = arith.addf %add3A_63, %get3A_67 : vector<16xf32>
      %get3A_69 = arith.constant 7 : i32
      %get3A_70 = arith.index_cast %get3A_69 : i32 to index
      %get3A_71 = arith.index_cast %multiple_of3A_35 : i32 to index
      %get3A_72 = tpu.vector_load %arg6[%get3A_70, %get3A_71] {strides = array<i32>} : memref<16x640xf32, #tpu.memory_space<vmem>>, vector<16xf32>,
      %add3A_73 = arith.addf %add3A_68, %get3A_72 : vector<16xf32>
      %get3A_74 = arith.constant 8 : i32
      %get3A_75 = arith.index_cast %get3A_74 : i32 to index
      %get3A_76 = arith.index_cast %multiple_of3A_35 : i32 to index
      %get3A_77 = tpu.vector_load %arg6[%get3A_75, %get3A_76] {strides = array<i32>} : memref<16x640xf32, #tpu.memory_space<vmem>>, vector<16xf32>,
      %add3A_78 = arith.addf %add3A_73, %get3A_77 : vector<16xf32>
      %get3A_79 = arith.constant 9 : i32
      %get3A_80 = arith.index_cast %get3A_79 : i32 to index
      %get3A_81 = arith.index_cast %multiple_of3A_35 : i32 to index
      %get3A_82 = tpu.vector_load %arg6[%get3A_80, %get3A_81] {strides = array<i32>} : memref<16x640xf32, #tpu.memory_space<vmem>>, vector<16xf32>,
      %add3A_83 = arith.addf %add3A_78, %get3A_82 : vector<16xf32>
      %get3A_84 = arith.constant 10 : i32
      %get3A_85 = arith.index_cast %get3A_84 : i32 to index
      %get3A_86 = arith.index_cast %multiple_of3A_35 : i32 to index
      %get3A_87 = tpu.vector_load %arg6[%get3A_85, %get3A_86] {strides = array<i32>} : memref<16x640xf32, #tpu.memory_space<vmem>>, vector<16xf32>,
      %add3A_88 = arith.addf %add3A_83, %get3A_87 : vector<16xf32>
      %get3A_89 = arith.constant 11 : i32
      %get3A_90 = arith.index_cast %get3A_89 : i32 to index
      %get3A_91 = arith.index_cast %multiple_of3A_35 : i32 to index
      %get3A_92 = tpu.vector_load %arg6[%get3A_90, %get3A_91] {strides = array<i32>} : memref<16x640xf32, #tpu.memory_space<vmem>>, vector<16xf32>,
      %add3A_93 = arith.addf %add3A_88, %get3A_92 : vector<16xf32>
      %get3A_94 = arith.constant 12 : i32
      %get3A_95 = arith.index_cast %get3A_94 : i32 to index
      %get3A_96 = arith.index_cast %multiple_of3A_35 : i32 to index
      %get3A_97 = tpu.vector_load %arg6[%get3A_95, %get3A_96] {strides = array<i32>} : memref<16x640xf32, #tpu.memory_space<vmem>>, vector<16xf32>,
      %add3A_98 = arith.addf %add3A_93, %get3A_97 : vector<16xf32>
      %get3A_99 = arith.constant 13 : i32
      %get3A_100 = arith.index_cast %get3A_99 : i32 to index
      %get3A_101 = arith.index_cast %multiple_of3A_35 : i32 to index
      %get3A_102 = tpu.vector_load %arg6[%get3A_100, %get3A_101] {strides = array<i32>} : memref<16x640xf32, #tpu.memory_space<vmem>>, vector<16xf32>,
      %add3A_103 = arith.addf %add3A_98, %get3A_102 : vector<16xf32>
      %get3A_104 = arith.constant 14 : i32
      %get3A_105 = arith.index_cast %get3A_104 : i32 to index
      %get3A_106 = arith.index_cast %multiple_of3A_35 : i32 to index
      %get3A_107 = tpu.vector_load %arg6[%get3A_105, %get3A_106] {strides = array<i32>} : memref<16x640xf32, #tpu.memory_space<vmem>>, vector<16xf32>,
      %add3A_108 = arith.addf %add3A_103, %get3A_107 : vector<16xf32>
      %get3A_109 = arith.constant 15 : i32
      %get3A_110 = arith.index_cast %get3A_109 : i32 to index
      %get3A_111 = arith.index_cast %multiple_of3A_35 : i32 to index
      %get3A_112 = tpu.vector_load %arg6[%get3A_110, %get3A_111] {strides = array<i32>} : memref<16x640xf32, #tpu.memory_space<vmem>>, vector<16xf32>,
      %add3A_113 = arith.addf %add3A_108, %get3A_112 : vector<16xf32>
      %mul3A_114 = arith.constant 16 : i32
      %mul3A_115 = arith.muli %scan3A_32, %mul3A_114 : i32
      %iota3A = tpu.iota {dimensions = array<i32: 0>} : vector<16xi32>
      %add3A_116 = vector.broadcast %mul3A_115 : i32 to vector<16xi32>
      %add3A_117 = arith.addi %add3A_116, %iota3A : vector<16xi32>
      tpu.vector_store_idx %arg7[%add3A_117, %broadcast_in_dim3A_25], %add3A_113 : memref<640x128xf32, #tpu.memory_space<vmem>>[vector<16xi32>, vector<16xi32>], vector<16xf32>,
    }
    %scan3A_31 = arith.constant 40 : i32
    "tpu.region"() ({
      %run_scoped3A = tpu.sem_alloc : memref<!tpu.dma_semaphore, #tpu.memory_space<semaphore_mem>>
      %dma_start3A_32 = arith.constant 0 : i32
      %dma_start3A_33 = tpu.memref_slice %arg3[%arg0, %multiple_of3A_23, %dma_start3A_32] : memref<2x10240x128xf32, #tpu.memory_space<hbm>> -> memref<1x640x128xf32, #tpu.memory_space<hbm>>
      %dma_start3A_34 = tpu.memref_squeeze %dma_start3A_33 : memref<1x640x128xf32, #tpu.memory_space<hbm>> -> memref<640x128xf32, #tpu.memory_space<hbm>>
      %dma_start3A_35 = arith.constant 0 : i32
      %dma_start3A_36 = tpu.memref_slice %arg3[%arg0, %multiple_of3A_23, %dma_start3A_35] : memref<2x10240x128xf32, #tpu.memory_space<hbm>> -> memref<1x640x128xf32, #tpu.memory_space<hbm>>
      %dma_start3A_37 = tpu.memref_squeeze %dma_start3A_36 : memref<1x640x128xf32, #tpu.memory_space<hbm>> -> memref<640x128xf32, #tpu.memory_space<hbm>>
      tpu.enqueue_dma source(%arg7 : memref<640x128xf32, #tpu.memory_space<vmem>>) target(%dma_start3A_37 : memref<640x128xf32, #tpu.memory_space<hbm>>) target_semaphore(%run_scoped3A : memref<!tpu.dma_semaphore, #tpu.memory_space<semaphore_mem>>)
      %dma_wait3A_38 = arith.constant 0 : i32
      %dma_wait3A_39 = tpu.memref_slice %arg3[%arg0, %multiple_of3A_23, %dma_wait3A_38] : memref<2x10240x128xf32, #tpu.memory_space<hbm>> -> memref<1x640x128xf32, #tpu.memory_space<hbm>>
      %dma_wait3A_40 = tpu.memref_squeeze %dma_wait3A_39 : memref<1x640x128xf32, #tpu.memory_space<hbm>> -> memref<640x128xf32, #tpu.memory_space<hbm>>
      %dma_wait3A_41 = arith.constant 0 : i32
      %dma_wait3A_42 = tpu.memref_slice %arg3[%arg0, %multiple_of3A_23, %dma_wait3A_41] : memref<2x10240x128xf32, #tpu.memory_space<hbm>> -> memref<1x640x128xf32, #tpu.memory_space<hbm>>
      %dma_wait3A_43 = tpu.memref_squeeze %dma_wait3A_42 : memref<1x640x128xf32, #tpu.memory_space<hbm>> -> memref<640x128xf32, #tpu.memory_space<hbm>>
      tpu.wait_dma2 semaphore(%run_scoped3A : memref<!tpu.dma_semaphore, #tpu.memory_space<semaphore_mem>>) src(%arg7 : memref<640x128xf32, #tpu.memory_space<vmem>>) dst(%dma_wait3A_43 : memref<640x128xf32, #tpu.memory_space<hbm>>)
      tpu.yield
    }) : () -> ()
    return
  }
}

#map = affine_map<(d0, d1) -> (0)>
#map1 = affine_map<(d0, d1) -> (0, 0)>
#map2 = affine_map<(d0, d1) -> (0, 0, 0)>
module attributes {stable_mosaic.version = 14 : i64} {
  func.func @_msg_body(%arg0: i32, %arg1: i32, %arg2: memref<640000xi32, #tpu.memory_space<hbm>>, %arg3: memref<10000x128xf32, #tpu.memory_space<hbm>>, %arg4: memref<2x10000x128xf32, #tpu.memory_space<hbm>>, %arg5: memref<128xi32, #tpu.memory_space<vmem>>, %arg6: memref<128xi32, #tpu.memory_space<vmem>>, %arg7: memref<128xi32, #tpu.memory_space<vmem>>, %arg8: memref<128xi32, #tpu.memory_space<vmem>>, %arg9: memref<128xi32, #tpu.memory_space<vmem>>, %arg10: memref<128xi32, #tpu.memory_space<vmem>>, %arg11: memref<128x128xf32, #tpu.memory_space<vmem>>, %arg12: memref<128x128xf32, #tpu.memory_space<vmem>>, %arg13: memref<128x128xf32, #tpu.memory_space<vmem>>, %arg14: memref<10000x128xf32, #tpu.memory_space<vmem_shared>>, %arg15: memref<3x!tpu.dma_semaphore, #tpu.memory_space<semaphore_mem>>, %arg16: memref<3x!tpu.dma_semaphore, #tpu.memory_space<semaphore_mem>>, %arg17: memref<3x!tpu.dma_semaphore, #tpu.memory_space<semaphore_mem>>) attributes {dimension_semantics = [#tpu.dimension_semantics<core_parallel>, #tpu.dimension_semantics<subcore_parallel>], iteration_bounds = array<i64: 2, 16>, scalar_prefetch = 0 : i64, scratch_operands = 13 : i64, tpu.core_type = #tpu.core_type<sc_vector_subcore>, window_params = [{transform_indices = #map}, {transform_indices = #map1}, {transform_indices = #map2}]} {
    %mul3A = arith.constant 2 : i32
    %mul3A_0 = arith.muli %arg1, %mul3A : i32
    %add3A = arith.addi %mul3A_0, %arg0 : i32
    %mul3A_1 = arith.constant 632 : i32
    %mul3A_2 = arith.muli %arg1, %mul3A_1 : i32
    %multiple_of3A = tpu.assume_multiple %mul3A_2, 8 : i32
    %sub3A = arith.constant 2500 : i32
    %sub3A_3 = arith.subi %sub3A, %add3A : i32
    %add3A_4 = arith.constant 32 : i32
    %add3A_5 = arith.addi %sub3A_3, %add3A_4 : i32
    %sub3A_6 = arith.constant 1 : i32
    %sub3A_7 = arith.subi %add3A_5, %sub3A_6 : i32
    %jit3A = arith.constant 32 : i32
    %div3A = arith.divsi %sub3A_7, %jit3A : i32
    %sign3A = arith.constant 0 : i32
    %sign3A_8 = arith.cmpi sgt, %sub3A_7, %sign3A : i32
    %sign3A_9 = arith.extui %sign3A_8 : i1 to i32
    %sign3A_10 = arith.constant 0 : i32
    %sign3A_11 = arith.cmpi slt, %sub3A_7, %sign3A_10 : i32
    %sign3A_12 = arith.extui %sign3A_11 : i1 to i32
    %sign3A_13 = arith.subi %sign3A_9, %sign3A_12 : i32
    %sign3A_14 = arith.constant 0 : i32
    %sign3A_15 = arith.cmpi sgt, %jit3A, %sign3A_14 : i32
    %sign3A_16 = arith.extui %sign3A_15 : i1 to i32
    %sign3A_17 = arith.constant 0 : i32
    %sign3A_18 = arith.cmpi slt, %jit3A, %sign3A_17 : i32
    %sign3A_19 = arith.extui %sign3A_18 : i1 to i32
    %sign3A_20 = arith.subi %sign3A_16, %sign3A_19 : i32
    %ne3A = arith.cmpi ne, %sign3A_13, %sign3A_20 : i32
    %rem3A = arith.remsi %sub3A_7, %jit3A : i32
    %ne3A_21 = arith.constant 0 : i32
    %ne3A_22 = arith.cmpi ne, %rem3A, %ne3A_21 : i32
    %and3A = arith.andi %ne3A, %ne3A_22 : i1
    %sub3A_23 = arith.constant 1 : i32
    %sub3A_24 = arith.subi %div3A, %sub3A_23 : i32
    %select_n3A = arith.select %and3A, %sub3A_24, %div3A : i32
    %add3A_25 = arith.constant 0 : i32
    %add3A_26 = arith.addi %add3A, %add3A_25 : i32
    %mul3A_27 = arith.constant 128 : i32
    %mul3A_28 = arith.muli %add3A_26, %mul3A_27 : i32
    %multiple_of3A_29 = tpu.assume_multiple %mul3A_28, 8 : i32
    %dma_start3A = arith.constant 0 : i32
    %dma_start3A_30 = tpu.memref_slice %arg2[%multiple_of3A_29] : memref<640000xi32, #tpu.memory_space<hbm>> -> memref<128xi32, #tpu.memory_space<hbm>>
    %dma_start3A_31 = tpu.memref_slice %arg17[%dma_start3A] : memref<3x!tpu.dma_semaphore, #tpu.memory_space<semaphore_mem>> -> memref<1x!tpu.dma_semaphore, #tpu.memory_space<semaphore_mem>>
    %dma_start3A_32 = tpu.memref_squeeze %dma_start3A_31 : memref<1x!tpu.dma_semaphore, #tpu.memory_space<semaphore_mem>> -> memref<!tpu.dma_semaphore, #tpu.memory_space<semaphore_mem>>
    %dma_start3A_33 = tpu.memref_slice %arg2[%multiple_of3A_29] : memref<640000xi32, #tpu.memory_space<hbm>> -> memref<128xi32, #tpu.memory_space<hbm>>
    tpu.enqueue_dma source(%dma_start3A_33 : memref<128xi32, #tpu.memory_space<hbm>>) target(%arg5 : memref<128xi32, #tpu.memory_space<vmem>>) target_semaphore(%dma_start3A_32 : memref<!tpu.dma_semaphore, #tpu.memory_space<semaphore_mem>>)
    %add3A_34 = arith.constant 0 : i32
    %add3A_35 = arith.addi %add3A, %add3A_34 : i32
    %mul3A_36 = arith.constant 128 : i32
    %mul3A_37 = arith.muli %add3A_35, %mul3A_36 : i32
    %multiple_of3A_38 = tpu.assume_multiple %mul3A_37, 8 : i32
    %add3A_39 = arith.constant 320000 : i32
    %add3A_40 = arith.addi %add3A_39, %multiple_of3A_38 : i32
    %dma_start3A_41 = arith.constant 0 : i32
    %dma_start3A_42 = tpu.memref_slice %arg2[%add3A_40] : memref<640000xi32, #tpu.memory_space<hbm>> -> memref<128xi32, #tpu.memory_space<hbm>>
    %dma_start3A_43 = tpu.memref_slice %arg17[%dma_start3A_41] : memref<3x!tpu.dma_semaphore, #tpu.memory_space<semaphore_mem>> -> memref<1x!tpu.dma_semaphore, #tpu.memory_space<semaphore_mem>>
    %dma_start3A_44 = tpu.memref_squeeze %dma_start3A_43 : memref<1x!tpu.dma_semaphore, #tpu.memory_space<semaphore_mem>> -> memref<!tpu.dma_semaphore, #tpu.memory_space<semaphore_mem>>
    %dma_start3A_45 = tpu.memref_slice %arg2[%add3A_40] : memref<640000xi32, #tpu.memory_space<hbm>> -> memref<128xi32, #tpu.memory_space<hbm>>
    tpu.enqueue_dma source(%dma_start3A_45 : memref<128xi32, #tpu.memory_space<hbm>>) target(%arg8 : memref<128xi32, #tpu.memory_space<vmem>>) target_semaphore(%dma_start3A_44 : memref<!tpu.dma_semaphore, #tpu.memory_space<semaphore_mem>>)
    %add3A_46 = arith.constant 32 : i32
    %add3A_47 = arith.addi %add3A, %add3A_46 : i32
    %mul3A_48 = arith.constant 128 : i32
    %mul3A_49 = arith.muli %add3A_47, %mul3A_48 : i32
    %multiple_of3A_50 = tpu.assume_multiple %mul3A_49, 8 : i32
    %dma_start3A_51 = arith.constant 1 : i32
    %dma_start3A_52 = tpu.memref_slice %arg2[%multiple_of3A_50] : memref<640000xi32, #tpu.memory_space<hbm>> -> memref<128xi32, #tpu.memory_space<hbm>>
    %dma_start3A_53 = tpu.memref_slice %arg17[%dma_start3A_51] : memref<3x!tpu.dma_semaphore, #tpu.memory_space<semaphore_mem>> -> memref<1x!tpu.dma_semaphore, #tpu.memory_space<semaphore_mem>>
    %dma_start3A_54 = tpu.memref_squeeze %dma_start3A_53 : memref<1x!tpu.dma_semaphore, #tpu.memory_space<semaphore_mem>> -> memref<!tpu.dma_semaphore, #tpu.memory_space<semaphore_mem>>
    %dma_start3A_55 = tpu.memref_slice %arg2[%multiple_of3A_50] : memref<640000xi32, #tpu.memory_space<hbm>> -> memref<128xi32, #tpu.memory_space<hbm>>
    tpu.enqueue_dma source(%dma_start3A_55 : memref<128xi32, #tpu.memory_space<hbm>>) target(%arg6 : memref<128xi32, #tpu.memory_space<vmem>>) target_semaphore(%dma_start3A_54 : memref<!tpu.dma_semaphore, #tpu.memory_space<semaphore_mem>>)
    %add3A_56 = arith.constant 32 : i32
    %add3A_57 = arith.addi %add3A, %add3A_56 : i32
    %mul3A_58 = arith.constant 128 : i32
    %mul3A_59 = arith.muli %add3A_57, %mul3A_58 : i32
    %multiple_of3A_60 = tpu.assume_multiple %mul3A_59, 8 : i32
    %add3A_61 = arith.constant 320000 : i32
    %add3A_62 = arith.addi %add3A_61, %multiple_of3A_60 : i32
    %dma_start3A_63 = arith.constant 1 : i32
    %dma_start3A_64 = tpu.memref_slice %arg2[%add3A_62] : memref<640000xi32, #tpu.memory_space<hbm>> -> memref<128xi32, #tpu.memory_space<hbm>>
    %dma_start3A_65 = tpu.memref_slice %arg17[%dma_start3A_63] : memref<3x!tpu.dma_semaphore, #tpu.memory_space<semaphore_mem>> -> memref<1x!tpu.dma_semaphore, #tpu.memory_space<semaphore_mem>>
    %dma_start3A_66 = tpu.memref_squeeze %dma_start3A_65 : memref<1x!tpu.dma_semaphore, #tpu.memory_space<semaphore_mem>> -> memref<!tpu.dma_semaphore, #tpu.memory_space<semaphore_mem>>
    %dma_start3A_67 = tpu.memref_slice %arg2[%add3A_62] : memref<640000xi32, #tpu.memory_space<hbm>> -> memref<128xi32, #tpu.memory_space<hbm>>
    tpu.enqueue_dma source(%dma_start3A_67 : memref<128xi32, #tpu.memory_space<hbm>>) target(%arg9 : memref<128xi32, #tpu.memory_space<vmem>>) target_semaphore(%dma_start3A_66 : memref<!tpu.dma_semaphore, #tpu.memory_space<semaphore_mem>>)
    %add3A_68 = arith.constant 64 : i32
    %add3A_69 = arith.addi %add3A, %add3A_68 : i32
    %mul3A_70 = arith.constant 128 : i32
    %mul3A_71 = arith.muli %add3A_69, %mul3A_70 : i32
    %multiple_of3A_72 = tpu.assume_multiple %mul3A_71, 8 : i32
    %dma_start3A_73 = arith.constant 2 : i32
    %dma_start3A_74 = tpu.memref_slice %arg2[%multiple_of3A_72] : memref<640000xi32, #tpu.memory_space<hbm>> -> memref<128xi32, #tpu.memory_space<hbm>>
    %dma_start3A_75 = tpu.memref_slice %arg17[%dma_start3A_73] : memref<3x!tpu.dma_semaphore, #tpu.memory_space<semaphore_mem>> -> memref<1x!tpu.dma_semaphore, #tpu.memory_space<semaphore_mem>>
    %dma_start3A_76 = tpu.memref_squeeze %dma_start3A_75 : memref<1x!tpu.dma_semaphore, #tpu.memory_space<semaphore_mem>> -> memref<!tpu.dma_semaphore, #tpu.memory_space<semaphore_mem>>
    %dma_start3A_77 = tpu.memref_slice %arg2[%multiple_of3A_72] : memref<640000xi32, #tpu.memory_space<hbm>> -> memref<128xi32, #tpu.memory_space<hbm>>
    tpu.enqueue_dma source(%dma_start3A_77 : memref<128xi32, #tpu.memory_space<hbm>>) target(%arg7 : memref<128xi32, #tpu.memory_space<vmem>>) target_semaphore(%dma_start3A_76 : memref<!tpu.dma_semaphore, #tpu.memory_space<semaphore_mem>>)
    %add3A_78 = arith.constant 64 : i32
    %add3A_79 = arith.addi %add3A, %add3A_78 : i32
    %mul3A_80 = arith.constant 128 : i32
    %mul3A_81 = arith.muli %add3A_79, %mul3A_80 : i32
    %multiple_of3A_82 = tpu.assume_multiple %mul3A_81, 8 : i32
    %add3A_83 = arith.constant 320000 : i32
    %add3A_84 = arith.addi %add3A_83, %multiple_of3A_82 : i32
    %dma_start3A_85 = arith.constant 2 : i32
    %dma_start3A_86 = tpu.memref_slice %arg2[%add3A_84] : memref<640000xi32, #tpu.memory_space<hbm>> -> memref<128xi32, #tpu.memory_space<hbm>>
    %dma_start3A_87 = tpu.memref_slice %arg17[%dma_start3A_85] : memref<3x!tpu.dma_semaphore, #tpu.memory_space<semaphore_mem>> -> memref<1x!tpu.dma_semaphore, #tpu.memory_space<semaphore_mem>>
    %dma_start3A_88 = tpu.memref_squeeze %dma_start3A_87 : memref<1x!tpu.dma_semaphore, #tpu.memory_space<semaphore_mem>> -> memref<!tpu.dma_semaphore, #tpu.memory_space<semaphore_mem>>
    %dma_start3A_89 = tpu.memref_slice %arg2[%add3A_84] : memref<640000xi32, #tpu.memory_space<hbm>> -> memref<128xi32, #tpu.memory_space<hbm>>
    tpu.enqueue_dma source(%dma_start3A_89 : memref<128xi32, #tpu.memory_space<hbm>>) target(%arg10 : memref<128xi32, #tpu.memory_space<vmem>>) target_semaphore(%dma_start3A_88 : memref<!tpu.dma_semaphore, #tpu.memory_space<semaphore_mem>>)
    %broadcast_in_dim3A = arith.constant 0.000000e+00 : f32
    %broadcast_in_dim3A_90 = vector.broadcast %broadcast_in_dim3A : f32 to vector<16xf32>
    %scan3A = arith.constant 0 : i32
    %scan3A_91 = arith.constant 0 : i32
    %scan3A_92 = arith.constant 128 : i32
    %scan3A_93 = arith.addi %scan3A_91, %scan3A_92 : i32
    %scan3A_94 = arith.constant 1 : i32
    scf.for %scan3A_200 = %scan3A_91 to %scan3A_93 step %scan3A_94  : i32 {
      %swap3A = arith.index_cast %scan3A_200 : i32 to index
      %swap3A_201 = arith.constant 0 : index
      %swap3A_202 = tpu.vector_load %arg11[%swap3A, %swap3A_201] {strides = array<i32>} : memref<128x128xf32, #tpu.memory_space<vmem>>, vector<1x16xf32>,
      %swap3A_203 = vector.shape_cast %swap3A_202 : vector<1x16xf32> to vector<16xf32>
      %swap3A_204 = vector.shape_cast %broadcast_in_dim3A_90 : vector<16xf32> to vector<1x16xf32>
      tpu.vector_store %arg11[%swap3A, %swap3A_201], %swap3A_204 {strides = array<i32>} : memref<128x128xf32, #tpu.memory_space<vmem>>, vector<1x16xf32>,
      %swap3A_205 = arith.index_cast %scan3A_200 : i32 to index
      %swap3A_206 = arith.constant 16 : index
      %swap3A_207 = tpu.vector_load %arg11[%swap3A_205, %swap3A_206] {strides = array<i32>} : memref<128x128xf32, #tpu.memory_space<vmem>>, vector<1x16xf32>,
      %swap3A_208 = vector.shape_cast %swap3A_207 : vector<1x16xf32> to vector<16xf32>
      %swap3A_209 = vector.shape_cast %broadcast_in_dim3A_90 : vector<16xf32> to vector<1x16xf32>
      tpu.vector_store %arg11[%swap3A_205, %swap3A_206], %swap3A_209 {strides = array<i32>} : memref<128x128xf32, #tpu.memory_space<vmem>>, vector<1x16xf32>,
      %swap3A_210 = arith.index_cast %scan3A_200 : i32 to index
      %swap3A_211 = arith.constant 32 : index
      %swap3A_212 = tpu.vector_load %arg11[%swap3A_210, %swap3A_211] {strides = array<i32>} : memref<128x128xf32, #tpu.memory_space<vmem>>, vector<1x16xf32>,
      %swap3A_213 = vector.shape_cast %swap3A_212 : vector<1x16xf32> to vector<16xf32>
      %swap3A_214 = vector.shape_cast %broadcast_in_dim3A_90 : vector<16xf32> to vector<1x16xf32>
      tpu.vector_store %arg11[%swap3A_210, %swap3A_211], %swap3A_214 {strides = array<i32>} : memref<128x128xf32, #tpu.memory_space<vmem>>, vector<1x16xf32>,
      %swap3A_215 = arith.index_cast %scan3A_200 : i32 to index
      %swap3A_216 = arith.constant 48 : index
      %swap3A_217 = tpu.vector_load %arg11[%swap3A_215, %swap3A_216] {strides = array<i32>} : memref<128x128xf32, #tpu.memory_space<vmem>>, vector<1x16xf32>,
      %swap3A_218 = vector.shape_cast %swap3A_217 : vector<1x16xf32> to vector<16xf32>
      %swap3A_219 = vector.shape_cast %broadcast_in_dim3A_90 : vector<16xf32> to vector<1x16xf32>
      tpu.vector_store %arg11[%swap3A_215, %swap3A_216], %swap3A_219 {strides = array<i32>} : memref<128x128xf32, #tpu.memory_space<vmem>>, vector<1x16xf32>,
      %swap3A_220 = arith.index_cast %scan3A_200 : i32 to index
      %swap3A_221 = arith.constant 64 : index
      %swap3A_222 = tpu.vector_load %arg11[%swap3A_220, %swap3A_221] {strides = array<i32>} : memref<128x128xf32, #tpu.memory_space<vmem>>, vector<1x16xf32>,
      %swap3A_223 = vector.shape_cast %swap3A_222 : vector<1x16xf32> to vector<16xf32>
      %swap3A_224 = vector.shape_cast %broadcast_in_dim3A_90 : vector<16xf32> to vector<1x16xf32>
      tpu.vector_store %arg11[%swap3A_220, %swap3A_221], %swap3A_224 {strides = array<i32>} : memref<128x128xf32, #tpu.memory_space<vmem>>, vector<1x16xf32>,
      %swap3A_225 = arith.index_cast %scan3A_200 : i32 to index
      %swap3A_226 = arith.constant 80 : index
      %swap3A_227 = tpu.vector_load %arg11[%swap3A_225, %swap3A_226] {strides = array<i32>} : memref<128x128xf32, #tpu.memory_space<vmem>>, vector<1x16xf32>,
      %swap3A_228 = vector.shape_cast %swap3A_227 : vector<1x16xf32> to vector<16xf32>
      %swap3A_229 = vector.shape_cast %broadcast_in_dim3A_90 : vector<16xf32> to vector<1x16xf32>
      tpu.vector_store %arg11[%swap3A_225, %swap3A_226], %swap3A_229 {strides = array<i32>} : memref<128x128xf32, #tpu.memory_space<vmem>>, vector<1x16xf32>,
      %swap3A_230 = arith.index_cast %scan3A_200 : i32 to index
      %swap3A_231 = arith.constant 96 : index
      %swap3A_232 = tpu.vector_load %arg11[%swap3A_230, %swap3A_231] {strides = array<i32>} : memref<128x128xf32, #tpu.memory_space<vmem>>, vector<1x16xf32>,
      %swap3A_233 = vector.shape_cast %swap3A_232 : vector<1x16xf32> to vector<16xf32>
      %swap3A_234 = vector.shape_cast %broadcast_in_dim3A_90 : vector<16xf32> to vector<1x16xf32>
      tpu.vector_store %arg11[%swap3A_230, %swap3A_231], %swap3A_234 {strides = array<i32>} : memref<128x128xf32, #tpu.memory_space<vmem>>, vector<1x16xf32>,
      %swap3A_235 = arith.index_cast %scan3A_200 : i32 to index
      %swap3A_236 = arith.constant 112 : index
      %swap3A_237 = tpu.vector_load %arg11[%swap3A_235, %swap3A_236] {strides = array<i32>} : memref<128x128xf32, #tpu.memory_space<vmem>>, vector<1x16xf32>,
      %swap3A_238 = vector.shape_cast %swap3A_237 : vector<1x16xf32> to vector<16xf32>
      %swap3A_239 = vector.shape_cast %broadcast_in_dim3A_90 : vector<16xf32> to vector<1x16xf32>
      tpu.vector_store %arg11[%swap3A_235, %swap3A_236], %swap3A_239 {strides = array<i32>} : memref<128x128xf32, #tpu.memory_space<vmem>>, vector<1x16xf32>,
    }
    %scan3A_95 = arith.constant 128 : i32
    %add3A_96 = arith.constant 0 : i32
    %add3A_97 = arith.addi %multiple_of3A, %add3A_96 : i32
    "tpu.region"() ({
      %run_scoped3A = tpu.sem_alloc : memref<!tpu.dma_semaphore, #tpu.memory_space<semaphore_mem>>
      %dma_start3A_200 = arith.constant 0 : i32
      %dma_start3A_201 = tpu.memref_slice %arg14[%add3A_97, %dma_start3A_200] : memref<10000x128xf32, #tpu.memory_space<vmem_shared>> -> memref<128x128xf32, #tpu.memory_space<vmem_shared>>
      %dma_start3A_202 = arith.constant 0 : i32
      %dma_start3A_203 = tpu.memref_slice %arg14[%add3A_97, %dma_start3A_202] : memref<10000x128xf32, #tpu.memory_space<vmem_shared>> -> memref<128x128xf32, #tpu.memory_space<vmem_shared>>
      tpu.enqueue_dma source(%arg11 : memref<128x128xf32, #tpu.memory_space<vmem>>) target(%dma_start3A_203 : memref<128x128xf32, #tpu.memory_space<vmem_shared>>) target_semaphore(%run_scoped3A : memref<!tpu.dma_semaphore, #tpu.memory_space<semaphore_mem>>)
      %dma_wait3A_204 = arith.constant 0 : i32
      %dma_wait3A_205 = tpu.memref_slice %arg14[%add3A_97, %dma_wait3A_204] : memref<10000x128xf32, #tpu.memory_space<vmem_shared>> -> memref<128x128xf32, #tpu.memory_space<vmem_shared>>
      %dma_wait3A_206 = arith.constant 0 : i32
      %dma_wait3A_207 = tpu.memref_slice %arg14[%add3A_97, %dma_wait3A_206] : memref<10000x128xf32, #tpu.memory_space<vmem_shared>> -> memref<128x128xf32, #tpu.memory_space<vmem_shared>>
      tpu.wait_dma2 semaphore(%run_scoped3A : memref<!tpu.dma_semaphore, #tpu.memory_space<semaphore_mem>>) src(%arg11 : memref<128x128xf32, #tpu.memory_space<vmem>>) dst(%dma_wait3A_207 : memref<128x128xf32, #tpu.memory_space<vmem_shared>>)
      tpu.yield
    }) : () -> ()
    %add3A_98 = arith.constant 128 : i32
    %add3A_99 = arith.addi %multiple_of3A, %add3A_98 : i32
    "tpu.region"() ({
      %run_scoped3A = tpu.sem_alloc : memref<!tpu.dma_semaphore, #tpu.memory_space<semaphore_mem>>
      %dma_start3A_200 = arith.constant 0 : i32
      %dma_start3A_201 = tpu.memref_slice %arg14[%add3A_99, %dma_start3A_200] : memref<10000x128xf32, #tpu.memory_space<vmem_shared>> -> memref<128x128xf32, #tpu.memory_space<vmem_shared>>
      %dma_start3A_202 = arith.constant 0 : i32
      %dma_start3A_203 = tpu.memref_slice %arg14[%add3A_99, %dma_start3A_202] : memref<10000x128xf32, #tpu.memory_space<vmem_shared>> -> memref<128x128xf32, #tpu.memory_space<vmem_shared>>
      tpu.enqueue_dma source(%arg11 : memref<128x128xf32, #tpu.memory_space<vmem>>) target(%dma_start3A_203 : memref<128x128xf32, #tpu.memory_space<vmem_shared>>) target_semaphore(%run_scoped3A : memref<!tpu.dma_semaphore, #tpu.memory_space<semaphore_mem>>)
      %dma_wait3A_204 = arith.constant 0 : i32
      %dma_wait3A_205 = tpu.memref_slice %arg14[%add3A_99, %dma_wait3A_204] : memref<10000x128xf32, #tpu.memory_space<vmem_shared>> -> memref<128x128xf32, #tpu.memory_space<vmem_shared>>
      %dma_wait3A_206 = arith.constant 0 : i32
      %dma_wait3A_207 = tpu.memref_slice %arg14[%add3A_99, %dma_wait3A_206] : memref<10000x128xf32, #tpu.memory_space<vmem_shared>> -> memref<128x128xf32, #tpu.memory_space<vmem_shared>>
      tpu.wait_dma2 semaphore(%run_scoped3A : memref<!tpu.dma_semaphore, #tpu.memory_space<semaphore_mem>>) src(%arg11 : memref<128x128xf32, #tpu.memory_space<vmem>>) dst(%dma_wait3A_207 : memref<128x128xf32, #tpu.memory_space<vmem_shared>>)
      tpu.yield
    }) : () -> ()
    %add3A_100 = arith.constant 256 : i32
    %add3A_101 = arith.addi %multiple_of3A, %add3A_100 : i32
    "tpu.region"() ({
      %run_scoped3A = tpu.sem_alloc : memref<!tpu.dma_semaphore, #tpu.memory_space<semaphore_mem>>
      %dma_start3A_200 = arith.constant 0 : i32
      %dma_start3A_201 = tpu.memref_slice %arg14[%add3A_101, %dma_start3A_200] : memref<10000x128xf32, #tpu.memory_space<vmem_shared>> -> memref<128x128xf32, #tpu.memory_space<vmem_shared>>
      %dma_start3A_202 = arith.constant 0 : i32
      %dma_start3A_203 = tpu.memref_slice %arg14[%add3A_101, %dma_start3A_202] : memref<10000x128xf32, #tpu.memory_space<vmem_shared>> -> memref<128x128xf32, #tpu.memory_space<vmem_shared>>
      tpu.enqueue_dma source(%arg11 : memref<128x128xf32, #tpu.memory_space<vmem>>) target(%dma_start3A_203 : memref<128x128xf32, #tpu.memory_space<vmem_shared>>) target_semaphore(%run_scoped3A : memref<!tpu.dma_semaphore, #tpu.memory_space<semaphore_mem>>)
      %dma_wait3A_204 = arith.constant 0 : i32
      %dma_wait3A_205 = tpu.memref_slice %arg14[%add3A_101, %dma_wait3A_204] : memref<10000x128xf32, #tpu.memory_space<vmem_shared>> -> memref<128x128xf32, #tpu.memory_space<vmem_shared>>
      %dma_wait3A_206 = arith.constant 0 : i32
      %dma_wait3A_207 = tpu.memref_slice %arg14[%add3A_101, %dma_wait3A_206] : memref<10000x128xf32, #tpu.memory_space<vmem_shared>> -> memref<128x128xf32, #tpu.memory_space<vmem_shared>>
      tpu.wait_dma2 semaphore(%run_scoped3A : memref<!tpu.dma_semaphore, #tpu.memory_space<semaphore_mem>>) src(%arg11 : memref<128x128xf32, #tpu.memory_space<vmem>>) dst(%dma_wait3A_207 : memref<128x128xf32, #tpu.memory_space<vmem_shared>>)
      tpu.yield
    }) : () -> ()
    %add3A_102 = arith.constant 384 : i32
    %add3A_103 = arith.addi %multiple_of3A, %add3A_102 : i32
    "tpu.region"() ({
      %run_scoped3A = tpu.sem_alloc : memref<!tpu.dma_semaphore, #tpu.memory_space<semaphore_mem>>
      %dma_start3A_200 = arith.constant 0 : i32
      %dma_start3A_201 = tpu.memref_slice %arg14[%add3A_103, %dma_start3A_200] : memref<10000x128xf32, #tpu.memory_space<vmem_shared>> -> memref<128x128xf32, #tpu.memory_space<vmem_shared>>
      %dma_start3A_202 = arith.constant 0 : i32
      %dma_start3A_203 = tpu.memref_slice %arg14[%add3A_103, %dma_start3A_202] : memref<10000x128xf32, #tpu.memory_space<vmem_shared>> -> memref<128x128xf32, #tpu.memory_space<vmem_shared>>
      tpu.enqueue_dma source(%arg11 : memref<128x128xf32, #tpu.memory_space<vmem>>) target(%dma_start3A_203 : memref<128x128xf32, #tpu.memory_space<vmem_shared>>) target_semaphore(%run_scoped3A : memref<!tpu.dma_semaphore, #tpu.memory_space<semaphore_mem>>)
      %dma_wait3A_204 = arith.constant 0 : i32
      %dma_wait3A_205 = tpu.memref_slice %arg14[%add3A_103, %dma_wait3A_204] : memref<10000x128xf32, #tpu.memory_space<vmem_shared>> -> memref<128x128xf32, #tpu.memory_space<vmem_shared>>
      %dma_wait3A_206 = arith.constant 0 : i32
      %dma_wait3A_207 = tpu.memref_slice %arg14[%add3A_103, %dma_wait3A_206] : memref<10000x128xf32, #tpu.memory_space<vmem_shared>> -> memref<128x128xf32, #tpu.memory_space<vmem_shared>>
      tpu.wait_dma2 semaphore(%run_scoped3A : memref<!tpu.dma_semaphore, #tpu.memory_space<semaphore_mem>>) src(%arg11 : memref<128x128xf32, #tpu.memory_space<vmem>>) dst(%dma_wait3A_207 : memref<128x128xf32, #tpu.memory_space<vmem_shared>>)
      tpu.yield
    }) : () -> ()
    %lt3A = arith.constant 15 : i32
    %lt3A_104 = arith.cmpi slt, %arg1, %lt3A : i32
    %convert_element_type3A = arith.extui %lt3A_104 : i1 to i32
    %cond3A = arith.constant 0 : i32
    %cond3A_105 = arith.cmpi ne, %convert_element_type3A, %cond3A : i32
    scf.if %cond3A_105 {
      %add3A_200 = arith.constant 512 : i32
      %add3A_201 = arith.addi %multiple_of3A, %add3A_200 : i32
      "tpu.region"() ({
        %run_scoped3A = tpu.sem_alloc : memref<!tpu.dma_semaphore, #tpu.memory_space<semaphore_mem>>
        %dma_start3A_202 = arith.constant 0 : i32
        %dma_start3A_203 = arith.constant 0 : i32
        %dma_start3A_204 = tpu.memref_slice %arg11[%dma_start3A_202, %dma_start3A_203] : memref<128x128xf32, #tpu.memory_space<vmem>> -> memref<120x128xf32, #tpu.memory_space<vmem>>
        %dma_start3A_205 = arith.constant 0 : i32
        %dma_start3A_206 = tpu.memref_slice %arg14[%add3A_201, %dma_start3A_205] : memref<10000x128xf32, #tpu.memory_space<vmem_shared>> -> memref<120x128xf32, #tpu.memory_space<vmem_shared>>
        %dma_start3A_207 = arith.constant 0 : i32
        %dma_start3A_208 = tpu.memref_slice %arg14[%add3A_201, %dma_start3A_207] : memref<10000x128xf32, #tpu.memory_space<vmem_shared>> -> memref<120x128xf32, #tpu.memory_space<vmem_shared>>
        %dma_start3A_209 = arith.constant 0 : i32
        %dma_start3A_210 = arith.constant 0 : i32
        %dma_start3A_211 = tpu.memref_slice %arg11[%dma_start3A_209, %dma_start3A_210] : memref<128x128xf32, #tpu.memory_space<vmem>> -> memref<120x128xf32, #tpu.memory_space<vmem>>
        tpu.enqueue_dma source(%dma_start3A_211 : memref<120x128xf32, #tpu.memory_space<vmem>>) target(%dma_start3A_208 : memref<120x128xf32, #tpu.memory_space<vmem_shared>>) target_semaphore(%run_scoped3A : memref<!tpu.dma_semaphore, #tpu.memory_space<semaphore_mem>>)
        %dma_wait3A_212 = arith.constant 0 : i32
        %dma_wait3A_213 = arith.constant 0 : i32
        %dma_wait3A_214 = tpu.memref_slice %arg11[%dma_wait3A_212, %dma_wait3A_213] : memref<128x128xf32, #tpu.memory_space<vmem>> -> memref<120x128xf32, #tpu.memory_space<vmem>>
        %dma_wait3A_215 = arith.constant 0 : i32
        %dma_wait3A_216 = tpu.memref_slice %arg14[%add3A_201, %dma_wait3A_215] : memref<10000x128xf32, #tpu.memory_space<vmem_shared>> -> memref<120x128xf32, #tpu.memory_space<vmem_shared>>
        %dma_wait3A_217 = arith.constant 0 : i32
        %dma_wait3A_218 = tpu.memref_slice %arg14[%add3A_201, %dma_wait3A_217] : memref<10000x128xf32, #tpu.memory_space<vmem_shared>> -> memref<120x128xf32, #tpu.memory_space<vmem_shared>>
        %dma_wait3A_219 = arith.constant 0 : i32
        %dma_wait3A_220 = arith.constant 0 : i32
        %dma_wait3A_221 = tpu.memref_slice %arg11[%dma_wait3A_219, %dma_wait3A_220] : memref<128x128xf32, #tpu.memory_space<vmem>> -> memref<120x128xf32, #tpu.memory_space<vmem>>
        tpu.wait_dma2 semaphore(%run_scoped3A : memref<!tpu.dma_semaphore, #tpu.memory_space<semaphore_mem>>) src(%dma_wait3A_221 : memref<120x128xf32, #tpu.memory_space<vmem>>) dst(%dma_wait3A_218 : memref<120x128xf32, #tpu.memory_space<vmem_shared>>)
        tpu.yield
      }) : () -> ()
    } else {
    }
    %eq3A = arith.constant 15 : i32
    %eq3A_106 = arith.cmpi eq, %arg1, %eq3A : i32
    %convert_element_type3A_107 = arith.extui %eq3A_106 : i1 to i32
    %cond3A_108 = arith.constant 0 : i32
    %cond3A_109 = arith.cmpi ne, %convert_element_type3A_107, %cond3A_108 : i32
    scf.if %cond3A_109 {
      %add3A_200 = arith.constant 512 : i32
      %add3A_201 = arith.addi %multiple_of3A, %add3A_200 : i32
      "tpu.region"() ({
        %run_scoped3A = tpu.sem_alloc : memref<!tpu.dma_semaphore, #tpu.memory_space<semaphore_mem>>
        %dma_start3A_202 = arith.constant 0 : i32
        %dma_start3A_203 = arith.constant 0 : i32
        %dma_start3A_204 = tpu.memref_slice %arg11[%dma_start3A_202, %dma_start3A_203] : memref<128x128xf32, #tpu.memory_space<vmem>> -> memref<8x128xf32, #tpu.memory_space<vmem>>
        %dma_start3A_205 = arith.constant 0 : i32
        %dma_start3A_206 = tpu.memref_slice %arg14[%add3A_201, %dma_start3A_205] : memref<10000x128xf32, #tpu.memory_space<vmem_shared>> -> memref<8x128xf32, #tpu.memory_space<vmem_shared>>
        %dma_start3A_207 = arith.constant 0 : i32
        %dma_start3A_208 = tpu.memref_slice %arg14[%add3A_201, %dma_start3A_207] : memref<10000x128xf32, #tpu.memory_space<vmem_shared>> -> memref<8x128xf32, #tpu.memory_space<vmem_shared>>
        %dma_start3A_209 = arith.constant 0 : i32
        %dma_start3A_210 = arith.constant 0 : i32
        %dma_start3A_211 = tpu.memref_slice %arg11[%dma_start3A_209, %dma_start3A_210] : memref<128x128xf32, #tpu.memory_space<vmem>> -> memref<8x128xf32, #tpu.memory_space<vmem>>
        tpu.enqueue_dma source(%dma_start3A_211 : memref<8x128xf32, #tpu.memory_space<vmem>>) target(%dma_start3A_208 : memref<8x128xf32, #tpu.memory_space<vmem_shared>>) target_semaphore(%run_scoped3A : memref<!tpu.dma_semaphore, #tpu.memory_space<semaphore_mem>>)
        %dma_wait3A_212 = arith.constant 0 : i32
        %dma_wait3A_213 = arith.constant 0 : i32
        %dma_wait3A_214 = tpu.memref_slice %arg11[%dma_wait3A_212, %dma_wait3A_213] : memref<128x128xf32, #tpu.memory_space<vmem>> -> memref<8x128xf32, #tpu.memory_space<vmem>>
        %dma_wait3A_215 = arith.constant 0 : i32
        %dma_wait3A_216 = tpu.memref_slice %arg14[%add3A_201, %dma_wait3A_215] : memref<10000x128xf32, #tpu.memory_space<vmem_shared>> -> memref<8x128xf32, #tpu.memory_space<vmem_shared>>
        %dma_wait3A_217 = arith.constant 0 : i32
        %dma_wait3A_218 = tpu.memref_slice %arg14[%add3A_201, %dma_wait3A_217] : memref<10000x128xf32, #tpu.memory_space<vmem_shared>> -> memref<8x128xf32, #tpu.memory_space<vmem_shared>>
        %dma_wait3A_219 = arith.constant 0 : i32
        %dma_wait3A_220 = arith.constant 0 : i32
        %dma_wait3A_221 = tpu.memref_slice %arg11[%dma_wait3A_219, %dma_wait3A_220] : memref<128x128xf32, #tpu.memory_space<vmem>> -> memref<8x128xf32, #tpu.memory_space<vmem>>
        tpu.wait_dma2 semaphore(%run_scoped3A : memref<!tpu.dma_semaphore, #tpu.memory_space<semaphore_mem>>) src(%dma_wait3A_221 : memref<8x128xf32, #tpu.memory_space<vmem>>) dst(%dma_wait3A_218 : memref<8x128xf32, #tpu.memory_space<vmem_shared>>)
        tpu.yield
      }) : () -> ()
    } else {
    }
    %barrier3A = arith.constant 0 : index
    tpu.barrier barrier_id(%barrier3A)
    %dma_wait3A = arith.constant 0 : i32
    %dma_wait3A_110 = arith.constant 0 : i32
    %dma_wait3A_111 = tpu.memref_slice %arg2[%dma_wait3A_110] : memref<640000xi32, #tpu.memory_space<hbm>> -> memref<128xi32, #tpu.memory_space<hbm>>
    %dma_wait3A_112 = tpu.memref_slice %arg17[%dma_wait3A] : memref<3x!tpu.dma_semaphore, #tpu.memory_space<semaphore_mem>> -> memref<1x!tpu.dma_semaphore, #tpu.memory_space<semaphore_mem>>
    %dma_wait3A_113 = tpu.memref_squeeze %dma_wait3A_112 : memref<1x!tpu.dma_semaphore, #tpu.memory_space<semaphore_mem>> -> memref<!tpu.dma_semaphore, #tpu.memory_space<semaphore_mem>>
    %dma_wait3A_114 = arith.constant 0 : i32
    %dma_wait3A_115 = tpu.memref_slice %arg2[%dma_wait3A_114] : memref<640000xi32, #tpu.memory_space<hbm>> -> memref<128xi32, #tpu.memory_space<hbm>>
    tpu.wait_dma2 semaphore(%dma_wait3A_113 : memref<!tpu.dma_semaphore, #tpu.memory_space<semaphore_mem>>) src(%dma_wait3A_115 : memref<128xi32, #tpu.memory_space<hbm>>) dst(%arg5 : memref<128xi32, #tpu.memory_space<vmem>>)
    %dma_wait3A_116 = arith.constant 0 : i32
    %dma_wait3A_117 = arith.constant 0 : i32
    %dma_wait3A_118 = tpu.memref_slice %arg2[%dma_wait3A_117] : memref<640000xi32, #tpu.memory_space<hbm>> -> memref<128xi32, #tpu.memory_space<hbm>>
    %dma_wait3A_119 = tpu.memref_slice %arg17[%dma_wait3A_116] : memref<3x!tpu.dma_semaphore, #tpu.memory_space<semaphore_mem>> -> memref<1x!tpu.dma_semaphore, #tpu.memory_space<semaphore_mem>>
    %dma_wait3A_120 = tpu.memref_squeeze %dma_wait3A_119 : memref<1x!tpu.dma_semaphore, #tpu.memory_space<semaphore_mem>> -> memref<!tpu.dma_semaphore, #tpu.memory_space<semaphore_mem>>
    %dma_wait3A_121 = arith.constant 0 : i32
    %dma_wait3A_122 = tpu.memref_slice %arg2[%dma_wait3A_121] : memref<640000xi32, #tpu.memory_space<hbm>> -> memref<128xi32, #tpu.memory_space<hbm>>
    tpu.wait_dma2 semaphore(%dma_wait3A_120 : memref<!tpu.dma_semaphore, #tpu.memory_space<semaphore_mem>>) src(%dma_wait3A_122 : memref<128xi32, #tpu.memory_space<hbm>>) dst(%arg8 : memref<128xi32, #tpu.memory_space<vmem>>)
    %dma_start3A_123 = arith.constant 0 : i32
    %dma_start3A_124 = arith.constant 0 : i32
    %dma_start3A_125 = arith.constant 0 : i32
    %dma_start3A_126 = tpu.memref_slice %arg3[%dma_start3A_124, %dma_start3A_125] : memref<10000x128xf32, #tpu.memory_space<hbm>> -> memref<10000x128xf32, #tpu.memory_space<hbm>>
    %dma_start3A_127 = tpu.memref_slice %arg15[%dma_start3A_123] : memref<3x!tpu.dma_semaphore, #tpu.memory_space<semaphore_mem>> -> memref<1x!tpu.dma_semaphore, #tpu.memory_space<semaphore_mem>>
    %dma_start3A_128 = tpu.memref_squeeze %dma_start3A_127 : memref<1x!tpu.dma_semaphore, #tpu.memory_space<semaphore_mem>> -> memref<!tpu.dma_semaphore, #tpu.memory_space<semaphore_mem>>
    tpu.enqueue_indirect_dma source(%dma_start3A_126 : memref<10000x128xf32, #tpu.memory_space<hbm>>) target(%arg11 : memref<128x128xf32, #tpu.memory_space<vmem>>) offsets(%arg5 : memref<128xi32, #tpu.memory_space<vmem>>) semaphore(%dma_start3A_128 : memref<!tpu.dma_semaphore, #tpu.memory_space<semaphore_mem>>)
    %dma_wait3A_129 = arith.constant 1 : i32
    %dma_wait3A_130 = arith.constant 0 : i32
    %dma_wait3A_131 = tpu.memref_slice %arg2[%dma_wait3A_130] : memref<640000xi32, #tpu.memory_space<hbm>> -> memref<128xi32, #tpu.memory_space<hbm>>
    %dma_wait3A_132 = tpu.memref_slice %arg17[%dma_wait3A_129] : memref<3x!tpu.dma_semaphore, #tpu.memory_space<semaphore_mem>> -> memref<1x!tpu.dma_semaphore, #tpu.memory_space<semaphore_mem>>
    %dma_wait3A_133 = tpu.memref_squeeze %dma_wait3A_132 : memref<1x!tpu.dma_semaphore, #tpu.memory_space<semaphore_mem>> -> memref<!tpu.dma_semaphore, #tpu.memory_space<semaphore_mem>>
    %dma_wait3A_134 = arith.constant 0 : i32
    %dma_wait3A_135 = tpu.memref_slice %arg2[%dma_wait3A_134] : memref<640000xi32, #tpu.memory_space<hbm>> -> memref<128xi32, #tpu.memory_space<hbm>>
    tpu.wait_dma2 semaphore(%dma_wait3A_133 : memref<!tpu.dma_semaphore, #tpu.memory_space<semaphore_mem>>) src(%dma_wait3A_135 : memref<128xi32, #tpu.memory_space<hbm>>) dst(%arg6 : memref<128xi32, #tpu.memory_space<vmem>>)
    %dma_wait3A_136 = arith.constant 1 : i32
    %dma_wait3A_137 = arith.constant 0 : i32
    %dma_wait3A_138 = tpu.memref_slice %arg2[%dma_wait3A_137] : memref<640000xi32, #tpu.memory_space<hbm>> -> memref<128xi32, #tpu.memory_space<hbm>>
    %dma_wait3A_139 = tpu.memref_slice %arg17[%dma_wait3A_136] : memref<3x!tpu.dma_semaphore, #tpu.memory_space<semaphore_mem>> -> memref<1x!tpu.dma_semaphore, #tpu.memory_space<semaphore_mem>>
    %dma_wait3A_140 = tpu.memref_squeeze %dma_wait3A_139 : memref<1x!tpu.dma_semaphore, #tpu.memory_space<semaphore_mem>> -> memref<!tpu.dma_semaphore, #tpu.memory_space<semaphore_mem>>
    %dma_wait3A_141 = arith.constant 0 : i32
    %dma_wait3A_142 = tpu.memref_slice %arg2[%dma_wait3A_141] : memref<640000xi32, #tpu.memory_space<hbm>> -> memref<128xi32, #tpu.memory_space<hbm>>
    tpu.wait_dma2 semaphore(%dma_wait3A_140 : memref<!tpu.dma_semaphore, #tpu.memory_space<semaphore_mem>>) src(%dma_wait3A_142 : memref<128xi32, #tpu.memory_space<hbm>>) dst(%arg9 : memref<128xi32, #tpu.memory_space<vmem>>)
    %dma_start3A_143 = arith.constant 1 : i32
    %dma_start3A_144 = arith.constant 0 : i32
    %dma_start3A_145 = arith.constant 0 : i32
    %dma_start3A_146 = tpu.memref_slice %arg3[%dma_start3A_144, %dma_start3A_145] : memref<10000x128xf32, #tpu.memory_space<hbm>> -> memref<10000x128xf32, #tpu.memory_space<hbm>>
    %dma_start3A_147 = tpu.memref_slice %arg15[%dma_start3A_143] : memref<3x!tpu.dma_semaphore, #tpu.memory_space<semaphore_mem>> -> memref<1x!tpu.dma_semaphore, #tpu.memory_space<semaphore_mem>>
    %dma_start3A_148 = tpu.memref_squeeze %dma_start3A_147 : memref<1x!tpu.dma_semaphore, #tpu.memory_space<semaphore_mem>> -> memref<!tpu.dma_semaphore, #tpu.memory_space<semaphore_mem>>
    tpu.enqueue_indirect_dma source(%dma_start3A_146 : memref<10000x128xf32, #tpu.memory_space<hbm>>) target(%arg12 : memref<128x128xf32, #tpu.memory_space<vmem>>) offsets(%arg6 : memref<128xi32, #tpu.memory_space<vmem>>) semaphore(%dma_start3A_148 : memref<!tpu.dma_semaphore, #tpu.memory_space<semaphore_mem>>)
    %dma_wait3A_149 = arith.constant 2 : i32
    %dma_wait3A_150 = arith.constant 0 : i32
    %dma_wait3A_151 = tpu.memref_slice %arg2[%dma_wait3A_150] : memref<640000xi32, #tpu.memory_space<hbm>> -> memref<128xi32, #tpu.memory_space<hbm>>
    %dma_wait3A_152 = tpu.memref_slice %arg17[%dma_wait3A_149] : memref<3x!tpu.dma_semaphore, #tpu.memory_space<semaphore_mem>> -> memref<1x!tpu.dma_semaphore, #tpu.memory_space<semaphore_mem>>
    %dma_wait3A_153 = tpu.memref_squeeze %dma_wait3A_152 : memref<1x!tpu.dma_semaphore, #tpu.memory_space<semaphore_mem>> -> memref<!tpu.dma_semaphore, #tpu.memory_space<semaphore_mem>>
    %dma_wait3A_154 = arith.constant 0 : i32
    %dma_wait3A_155 = tpu.memref_slice %arg2[%dma_wait3A_154] : memref<640000xi32, #tpu.memory_space<hbm>> -> memref<128xi32, #tpu.memory_space<hbm>>
    tpu.wait_dma2 semaphore(%dma_wait3A_153 : memref<!tpu.dma_semaphore, #tpu.memory_space<semaphore_mem>>) src(%dma_wait3A_155 : memref<128xi32, #tpu.memory_space<hbm>>) dst(%arg7 : memref<128xi32, #tpu.memory_space<vmem>>)
    %dma_wait3A_156 = arith.constant 2 : i32
    %dma_wait3A_157 = arith.constant 0 : i32
    %dma_wait3A_158 = tpu.memref_slice %arg2[%dma_wait3A_157] : memref<640000xi32, #tpu.memory_space<hbm>> -> memref<128xi32, #tpu.memory_space<hbm>>
    %dma_wait3A_159 = tpu.memref_slice %arg17[%dma_wait3A_156] : memref<3x!tpu.dma_semaphore, #tpu.memory_space<semaphore_mem>> -> memref<1x!tpu.dma_semaphore, #tpu.memory_space<semaphore_mem>>
    %dma_wait3A_160 = tpu.memref_squeeze %dma_wait3A_159 : memref<1x!tpu.dma_semaphore, #tpu.memory_space<semaphore_mem>> -> memref<!tpu.dma_semaphore, #tpu.memory_space<semaphore_mem>>
    %dma_wait3A_161 = arith.constant 0 : i32
    %dma_wait3A_162 = tpu.memref_slice %arg2[%dma_wait3A_161] : memref<640000xi32, #tpu.memory_space<hbm>> -> memref<128xi32, #tpu.memory_space<hbm>>
    tpu.wait_dma2 semaphore(%dma_wait3A_160 : memref<!tpu.dma_semaphore, #tpu.memory_space<semaphore_mem>>) src(%dma_wait3A_162 : memref<128xi32, #tpu.memory_space<hbm>>) dst(%arg10 : memref<128xi32, #tpu.memory_space<vmem>>)
    %dma_start3A_163 = arith.constant 2 : i32
    %dma_start3A_164 = arith.constant 0 : i32
    %dma_start3A_165 = arith.constant 0 : i32
    %dma_start3A_166 = tpu.memref_slice %arg3[%dma_start3A_164, %dma_start3A_165] : memref<10000x128xf32, #tpu.memory_space<hbm>> -> memref<10000x128xf32, #tpu.memory_space<hbm>>
    %dma_start3A_167 = tpu.memref_slice %arg15[%dma_start3A_163] : memref<3x!tpu.dma_semaphore, #tpu.memory_space<semaphore_mem>> -> memref<1x!tpu.dma_semaphore, #tpu.memory_space<semaphore_mem>>
    %dma_start3A_168 = tpu.memref_squeeze %dma_start3A_167 : memref<1x!tpu.dma_semaphore, #tpu.memory_space<semaphore_mem>> -> memref<!tpu.dma_semaphore, #tpu.memory_space<semaphore_mem>>
    tpu.enqueue_indirect_dma source(%dma_start3A_166 : memref<10000x128xf32, #tpu.memory_space<hbm>>) target(%arg13 : memref<128x128xf32, #tpu.memory_space<vmem>>) offsets(%arg7 : memref<128xi32, #tpu.memory_space<vmem>>) semaphore(%dma_start3A_168 : memref<!tpu.dma_semaphore, #tpu.memory_space<semaphore_mem>>)
    %scan3A_169 = arith.constant 0 : i32
    %scan3A_170 = arith.constant 0 : i32
    %scan3A_171 = arith.constant 27 : i32
    %scan3A_172 = arith.addi %scan3A_170, %scan3A_171 : i32
    %scan3A_173 = arith.constant 1 : i32
    scf.for %scan3A_200 = %scan3A_170 to %scan3A_172 step %scan3A_173  : i32 {
      %mul3A_201 = arith.constant 3 : i32
      %mul3A_202 = arith.muli %scan3A_200, %mul3A_201 : i32
      %add3A_203 = arith.constant 0 : i32
      %add3A_204 = arith.addi %mul3A_202, %add3A_203 : i32
      %lt3A_205 = arith.cmpi slt, %add3A_204, %select_n3A : i32
      %convert_element_type3A_206 = arith.extui %lt3A_205 : i1 to i32
      %cond3A_207 = arith.constant 0 : i32
      %cond3A_208 = arith.cmpi ne, %convert_element_type3A_206, %cond3A_207 : i32
      scf.if %cond3A_208 {
        %dma_wait3A_245 = arith.constant 0 : i32
        %dma_wait3A_246 = arith.constant 0 : i32
        %dma_wait3A_247 = arith.constant 0 : i32
        %dma_wait3A_248 = tpu.memref_slice %arg3[%dma_wait3A_246, %dma_wait3A_247] : memref<10000x128xf32, #tpu.memory_space<hbm>> -> memref<128x128xf32, #tpu.memory_space<hbm>>
        %dma_wait3A_249 = tpu.memref_slice %arg15[%dma_wait3A_245] : memref<3x!tpu.dma_semaphore, #tpu.memory_space<semaphore_mem>> -> memref<1x!tpu.dma_semaphore, #tpu.memory_space<semaphore_mem>>
        %dma_wait3A_250 = tpu.memref_squeeze %dma_wait3A_249 : memref<1x!tpu.dma_semaphore, #tpu.memory_space<semaphore_mem>> -> memref<!tpu.dma_semaphore, #tpu.memory_space<semaphore_mem>>
        %dma_wait3A_251 = arith.constant 0 : i32
        %dma_wait3A_252 = arith.constant 0 : i32
        %dma_wait3A_253 = tpu.memref_slice %arg3[%dma_wait3A_251, %dma_wait3A_252] : memref<10000x128xf32, #tpu.memory_space<hbm>> -> memref<128x128xf32, #tpu.memory_space<hbm>>
        tpu.wait_dma2 semaphore(%dma_wait3A_250 : memref<!tpu.dma_semaphore, #tpu.memory_space<semaphore_mem>>) src(%dma_wait3A_253 : memref<128x128xf32, #tpu.memory_space<hbm>>) dst(%arg11 : memref<128x128xf32, #tpu.memory_space<vmem>>)
        %dma_start3A_254 = arith.constant 0 : i32
        %dma_start3A_255 = arith.constant 0 : i32
        %dma_start3A_256 = arith.constant 0 : i32
        %dma_start3A_257 = tpu.memref_slice %arg14[%dma_start3A_255, %dma_start3A_256] : memref<10000x128xf32, #tpu.memory_space<vmem_shared>> -> memref<10000x128xf32, #tpu.memory_space<vmem_shared>>
        %dma_start3A_258 = tpu.memref_slice %arg16[%dma_start3A_254] : memref<3x!tpu.dma_semaphore, #tpu.memory_space<semaphore_mem>> -> memref<1x!tpu.dma_semaphore, #tpu.memory_space<semaphore_mem>>
        %dma_start3A_259 = tpu.memref_squeeze %dma_start3A_258 : memref<1x!tpu.dma_semaphore, #tpu.memory_space<semaphore_mem>> -> memref<!tpu.dma_semaphore, #tpu.memory_space<semaphore_mem>>
        tpu.enqueue_indirect_dma source(%arg11 : memref<128x128xf32, #tpu.memory_space<vmem>>) target(%dma_start3A_257 : memref<10000x128xf32, #tpu.memory_space<vmem_shared>>) offsets(%arg8 : memref<128xi32, #tpu.memory_space<vmem>>) semaphore(%dma_start3A_259 : memref<!tpu.dma_semaphore, #tpu.memory_space<semaphore_mem>>) {add = true}
      } else {
      }
      %add3A_209 = arith.constant 1 : i32
      %add3A_210 = arith.addi %mul3A_202, %add3A_209 : i32
      %lt3A_211 = arith.cmpi slt, %add3A_210, %select_n3A : i32
      %convert_element_type3A_212 = arith.extui %lt3A_211 : i1 to i32
      %cond3A_213 = arith.constant 0 : i32
      %cond3A_214 = arith.cmpi ne, %convert_element_type3A_212, %cond3A_213 : i32
      scf.if %cond3A_214 {
        %dma_wait3A_245 = arith.constant 1 : i32
        %dma_wait3A_246 = arith.constant 0 : i32
        %dma_wait3A_247 = arith.constant 0 : i32
        %dma_wait3A_248 = tpu.memref_slice %arg3[%dma_wait3A_246, %dma_wait3A_247] : memref<10000x128xf32, #tpu.memory_space<hbm>> -> memref<128x128xf32, #tpu.memory_space<hbm>>
        %dma_wait3A_249 = tpu.memref_slice %arg15[%dma_wait3A_245] : memref<3x!tpu.dma_semaphore, #tpu.memory_space<semaphore_mem>> -> memref<1x!tpu.dma_semaphore, #tpu.memory_space<semaphore_mem>>
        %dma_wait3A_250 = tpu.memref_squeeze %dma_wait3A_249 : memref<1x!tpu.dma_semaphore, #tpu.memory_space<semaphore_mem>> -> memref<!tpu.dma_semaphore, #tpu.memory_space<semaphore_mem>>
        %dma_wait3A_251 = arith.constant 0 : i32
        %dma_wait3A_252 = arith.constant 0 : i32
        %dma_wait3A_253 = tpu.memref_slice %arg3[%dma_wait3A_251, %dma_wait3A_252] : memref<10000x128xf32, #tpu.memory_space<hbm>> -> memref<128x128xf32, #tpu.memory_space<hbm>>
        tpu.wait_dma2 semaphore(%dma_wait3A_250 : memref<!tpu.dma_semaphore, #tpu.memory_space<semaphore_mem>>) src(%dma_wait3A_253 : memref<128x128xf32, #tpu.memory_space<hbm>>) dst(%arg12 : memref<128x128xf32, #tpu.memory_space<vmem>>)
        %dma_start3A_254 = arith.constant 1 : i32
        %dma_start3A_255 = arith.constant 0 : i32
        %dma_start3A_256 = arith.constant 0 : i32
        %dma_start3A_257 = tpu.memref_slice %arg14[%dma_start3A_255, %dma_start3A_256] : memref<10000x128xf32, #tpu.memory_space<vmem_shared>> -> memref<10000x128xf32, #tpu.memory_space<vmem_shared>>
        %dma_start3A_258 = tpu.memref_slice %arg16[%dma_start3A_254] : memref<3x!tpu.dma_semaphore, #tpu.memory_space<semaphore_mem>> -> memref<1x!tpu.dma_semaphore, #tpu.memory_space<semaphore_mem>>
        %dma_start3A_259 = tpu.memref_squeeze %dma_start3A_258 : memref<1x!tpu.dma_semaphore, #tpu.memory_space<semaphore_mem>> -> memref<!tpu.dma_semaphore, #tpu.memory_space<semaphore_mem>>
        tpu.enqueue_indirect_dma source(%arg12 : memref<128x128xf32, #tpu.memory_space<vmem>>) target(%dma_start3A_257 : memref<10000x128xf32, #tpu.memory_space<vmem_shared>>) offsets(%arg9 : memref<128xi32, #tpu.memory_space<vmem>>) semaphore(%dma_start3A_259 : memref<!tpu.dma_semaphore, #tpu.memory_space<semaphore_mem>>) {add = true}
      } else {
      }
      %add3A_215 = arith.constant 2 : i32
      %add3A_216 = arith.addi %mul3A_202, %add3A_215 : i32
      %lt3A_217 = arith.cmpi slt, %add3A_216, %select_n3A : i32
      %convert_element_type3A_218 = arith.extui %lt3A_217 : i1 to i32
      %cond3A_219 = arith.constant 0 : i32
      %cond3A_220 = arith.cmpi ne, %convert_element_type3A_218, %cond3A_219 : i32
      scf.if %cond3A_220 {
        %dma_wait3A_245 = arith.constant 2 : i32
        %dma_wait3A_246 = arith.constant 0 : i32
        %dma_wait3A_247 = arith.constant 0 : i32
        %dma_wait3A_248 = tpu.memref_slice %arg3[%dma_wait3A_246, %dma_wait3A_247] : memref<10000x128xf32, #tpu.memory_space<hbm>> -> memref<128x128xf32, #tpu.memory_space<hbm>>
        %dma_wait3A_249 = tpu.memref_slice %arg15[%dma_wait3A_245] : memref<3x!tpu.dma_semaphore, #tpu.memory_space<semaphore_mem>> -> memref<1x!tpu.dma_semaphore, #tpu.memory_space<semaphore_mem>>
        %dma_wait3A_250 = tpu.memref_squeeze %dma_wait3A_249 : memref<1x!tpu.dma_semaphore, #tpu.memory_space<semaphore_mem>> -> memref<!tpu.dma_semaphore, #tpu.memory_space<semaphore_mem>>
        %dma_wait3A_251 = arith.constant 0 : i32
        %dma_wait3A_252 = arith.constant 0 : i32
        %dma_wait3A_253 = tpu.memref_slice %arg3[%dma_wait3A_251, %dma_wait3A_252] : memref<10000x128xf32, #tpu.memory_space<hbm>> -> memref<128x128xf32, #tpu.memory_space<hbm>>
        tpu.wait_dma2 semaphore(%dma_wait3A_250 : memref<!tpu.dma_semaphore, #tpu.memory_space<semaphore_mem>>) src(%dma_wait3A_253 : memref<128x128xf32, #tpu.memory_space<hbm>>) dst(%arg13 : memref<128x128xf32, #tpu.memory_space<vmem>>)
        %dma_start3A_254 = arith.constant 2 : i32
        %dma_start3A_255 = arith.constant 0 : i32
        %dma_start3A_256 = arith.constant 0 : i32
        %dma_start3A_257 = tpu.memref_slice %arg14[%dma_start3A_255, %dma_start3A_256] : memref<10000x128xf32, #tpu.memory_space<vmem_shared>> -> memref<10000x128xf32, #tpu.memory_space<vmem_shared>>
        %dma_start3A_258 = tpu.memref_slice %arg16[%dma_start3A_254] : memref<3x!tpu.dma_semaphore, #tpu.memory_space<semaphore_mem>> -> memref<1x!tpu.dma_semaphore, #tpu.memory_space<semaphore_mem>>
        %dma_start3A_259 = tpu.memref_squeeze %dma_start3A_258 : memref<1x!tpu.dma_semaphore, #tpu.memory_space<semaphore_mem>> -> memref<!tpu.dma_semaphore, #tpu.memory_space<semaphore_mem>>
        tpu.enqueue_indirect_dma source(%arg13 : memref<128x128xf32, #tpu.memory_space<vmem>>) target(%dma_start3A_257 : memref<10000x128xf32, #tpu.memory_space<vmem_shared>>) offsets(%arg10 : memref<128xi32, #tpu.memory_space<vmem>>) semaphore(%dma_start3A_259 : memref<!tpu.dma_semaphore, #tpu.memory_space<semaphore_mem>>) {add = true}
      } else {
      }
      %add3A_221 = arith.constant 3 : i32
      %add3A_222 = arith.addi %mul3A_202, %add3A_221 : i32
      %add3A_223 = arith.constant 0 : i32
      %add3A_224 = arith.addi %add3A_222, %add3A_223 : i32
      %lt3A_225 = arith.cmpi slt, %add3A_224, %select_n3A : i32
      %convert_element_type3A_226 = arith.extui %lt3A_225 : i1 to i32
      %cond3A_227 = arith.constant 0 : i32
      %cond3A_228 = arith.cmpi ne, %convert_element_type3A_226, %cond3A_227 : i32
      scf.if %cond3A_228 {
        %mul3A_245 = arith.constant 32 : i32
        %mul3A_246 = arith.muli %add3A_224, %mul3A_245 : i32
        %add3A_247 = arith.addi %add3A, %mul3A_246 : i32
        %mul3A_248 = arith.constant 128 : i32
        %mul3A_249 = arith.muli %add3A_247, %mul3A_248 : i32
        %multiple_of3A_250 = tpu.assume_multiple %mul3A_249, 8 : i32
        %dma_start3A_251 = arith.constant 0 : i32
        %dma_start3A_252 = tpu.memref_slice %arg2[%multiple_of3A_250] : memref<640000xi32, #tpu.memory_space<hbm>> -> memref<128xi32, #tpu.memory_space<hbm>>
        %dma_start3A_253 = tpu.memref_slice %arg17[%dma_start3A_251] : memref<3x!tpu.dma_semaphore, #tpu.memory_space<semaphore_mem>> -> memref<1x!tpu.dma_semaphore, #tpu.memory_space<semaphore_mem>>
        %dma_start3A_254 = tpu.memref_squeeze %dma_start3A_253 : memref<1x!tpu.dma_semaphore, #tpu.memory_space<semaphore_mem>> -> memref<!tpu.dma_semaphore, #tpu.memory_space<semaphore_mem>>
        %dma_start3A_255 = tpu.memref_slice %arg2[%multiple_of3A_250] : memref<640000xi32, #tpu.memory_space<hbm>> -> memref<128xi32, #tpu.memory_space<hbm>>
        tpu.enqueue_dma source(%dma_start3A_255 : memref<128xi32, #tpu.memory_space<hbm>>) target(%arg5 : memref<128xi32, #tpu.memory_space<vmem>>) target_semaphore(%dma_start3A_254 : memref<!tpu.dma_semaphore, #tpu.memory_space<semaphore_mem>>)
        %dma_wait3A_256 = arith.constant 0 : i32
        %dma_wait3A_257 = arith.constant 0 : i32
        %dma_wait3A_258 = arith.constant 0 : i32
        %dma_wait3A_259 = tpu.memref_slice %arg14[%dma_wait3A_257, %dma_wait3A_258] : memref<10000x128xf32, #tpu.memory_space<vmem_shared>> -> memref<10000x128xf32, #tpu.memory_space<vmem_shared>>
        %dma_wait3A_260 = tpu.memref_slice %arg16[%dma_wait3A_256] : memref<3x!tpu.dma_semaphore, #tpu.memory_space<semaphore_mem>> -> memref<1x!tpu.dma_semaphore, #tpu.memory_space<semaphore_mem>>
        %dma_wait3A_261 = tpu.memref_squeeze %dma_wait3A_260 : memref<1x!tpu.dma_semaphore, #tpu.memory_space<semaphore_mem>> -> memref<!tpu.dma_semaphore, #tpu.memory_space<semaphore_mem>>
        tpu.wait_indirect_dma semaphore(%dma_wait3A_261 : memref<!tpu.dma_semaphore, #tpu.memory_space<semaphore_mem>>) src(%arg11 : memref<128x128xf32, #tpu.memory_space<vmem>>) dst(%dma_wait3A_259 : memref<10000x128xf32, #tpu.memory_space<vmem_shared>>)
        %mul3A_262 = arith.constant 32 : i32
        %mul3A_263 = arith.muli %add3A_224, %mul3A_262 : i32
        %add3A_264 = arith.addi %add3A, %mul3A_263 : i32
        %mul3A_265 = arith.constant 128 : i32
        %mul3A_266 = arith.muli %add3A_264, %mul3A_265 : i32
        %multiple_of3A_267 = tpu.assume_multiple %mul3A_266, 8 : i32
        %add3A_268 = arith.constant 320000 : i32
        %add3A_269 = arith.addi %add3A_268, %multiple_of3A_267 : i32
        %dma_start3A_270 = arith.constant 0 : i32
        %dma_start3A_271 = tpu.memref_slice %arg2[%add3A_269] : memref<640000xi32, #tpu.memory_space<hbm>> -> memref<128xi32, #tpu.memory_space<hbm>>
        %dma_start3A_272 = tpu.memref_slice %arg17[%dma_start3A_270] : memref<3x!tpu.dma_semaphore, #tpu.memory_space<semaphore_mem>> -> memref<1x!tpu.dma_semaphore, #tpu.memory_space<semaphore_mem>>
        %dma_start3A_273 = tpu.memref_squeeze %dma_start3A_272 : memref<1x!tpu.dma_semaphore, #tpu.memory_space<semaphore_mem>> -> memref<!tpu.dma_semaphore, #tpu.memory_space<semaphore_mem>>
        %dma_start3A_274 = tpu.memref_slice %arg2[%add3A_269] : memref<640000xi32, #tpu.memory_space<hbm>> -> memref<128xi32, #tpu.memory_space<hbm>>
        tpu.enqueue_dma source(%dma_start3A_274 : memref<128xi32, #tpu.memory_space<hbm>>) target(%arg8 : memref<128xi32, #tpu.memory_space<vmem>>) target_semaphore(%dma_start3A_273 : memref<!tpu.dma_semaphore, #tpu.memory_space<semaphore_mem>>)
        %dma_wait3A_275 = arith.constant 0 : i32
        %dma_wait3A_276 = arith.constant 0 : i32
        %dma_wait3A_277 = tpu.memref_slice %arg2[%dma_wait3A_276] : memref<640000xi32, #tpu.memory_space<hbm>> -> memref<128xi32, #tpu.memory_space<hbm>>
        %dma_wait3A_278 = tpu.memref_slice %arg17[%dma_wait3A_275] : memref<3x!tpu.dma_semaphore, #tpu.memory_space<semaphore_mem>> -> memref<1x!tpu.dma_semaphore, #tpu.memory_space<semaphore_mem>>
        %dma_wait3A_279 = tpu.memref_squeeze %dma_wait3A_278 : memref<1x!tpu.dma_semaphore, #tpu.memory_space<semaphore_mem>> -> memref<!tpu.dma_semaphore, #tpu.memory_space<semaphore_mem>>
        %dma_wait3A_280 = arith.constant 0 : i32
        %dma_wait3A_281 = tpu.memref_slice %arg2[%dma_wait3A_280] : memref<640000xi32, #tpu.memory_space<hbm>> -> memref<128xi32, #tpu.memory_space<hbm>>
        tpu.wait_dma2 semaphore(%dma_wait3A_279 : memref<!tpu.dma_semaphore, #tpu.memory_space<semaphore_mem>>) src(%dma_wait3A_281 : memref<128xi32, #tpu.memory_space<hbm>>) dst(%arg5 : memref<128xi32, #tpu.memory_space<vmem>>)
        %dma_wait3A_282 = arith.constant 0 : i32
        %dma_wait3A_283 = arith.constant 0 : i32
        %dma_wait3A_284 = tpu.memref_slice %arg2[%dma_wait3A_283] : memref<640000xi32, #tpu.memory_space<hbm>> -> memref<128xi32, #tpu.memory_space<hbm>>
        %dma_wait3A_285 = tpu.memref_slice %arg17[%dma_wait3A_282] : memref<3x!tpu.dma_semaphore, #tpu.memory_space<semaphore_mem>> -> memref<1x!tpu.dma_semaphore, #tpu.memory_space<semaphore_mem>>
        %dma_wait3A_286 = tpu.memref_squeeze %dma_wait3A_285 : memref<1x!tpu.dma_semaphore, #tpu.memory_space<semaphore_mem>> -> memref<!tpu.dma_semaphore, #tpu.memory_space<semaphore_mem>>
        %dma_wait3A_287 = arith.constant 0 : i32
        %dma_wait3A_288 = tpu.memref_slice %arg2[%dma_wait3A_287] : memref<640000xi32, #tpu.memory_space<hbm>> -> memref<128xi32, #tpu.memory_space<hbm>>
        tpu.wait_dma2 semaphore(%dma_wait3A_286 : memref<!tpu.dma_semaphore, #tpu.memory_space<semaphore_mem>>) src(%dma_wait3A_288 : memref<128xi32, #tpu.memory_space<hbm>>) dst(%arg8 : memref<128xi32, #tpu.memory_space<vmem>>)
        %dma_start3A_289 = arith.constant 0 : i32
        %dma_start3A_290 = arith.constant 0 : i32
        %dma_start3A_291 = arith.constant 0 : i32
        %dma_start3A_292 = tpu.memref_slice %arg3[%dma_start3A_290, %dma_start3A_291] : memref<10000x128xf32, #tpu.memory_space<hbm>> -> memref<10000x128xf32, #tpu.memory_space<hbm>>
        %dma_start3A_293 = tpu.memref_slice %arg15[%dma_start3A_289] : memref<3x!tpu.dma_semaphore, #tpu.memory_space<semaphore_mem>> -> memref<1x!tpu.dma_semaphore, #tpu.memory_space<semaphore_mem>>
        %dma_start3A_294 = tpu.memref_squeeze %dma_start3A_293 : memref<1x!tpu.dma_semaphore, #tpu.memory_space<semaphore_mem>> -> memref<!tpu.dma_semaphore, #tpu.memory_space<semaphore_mem>>
        tpu.enqueue_indirect_dma source(%dma_start3A_292 : memref<10000x128xf32, #tpu.memory_space<hbm>>) target(%arg11 : memref<128x128xf32, #tpu.memory_space<vmem>>) offsets(%arg5 : memref<128xi32, #tpu.memory_space<vmem>>) semaphore(%dma_start3A_294 : memref<!tpu.dma_semaphore, #tpu.memory_space<semaphore_mem>>)
      } else {
      }
      %add3A_229 = arith.constant 3 : i32
      %add3A_230 = arith.addi %mul3A_202, %add3A_229 : i32
      %add3A_231 = arith.constant 1 : i32
      %add3A_232 = arith.addi %add3A_230, %add3A_231 : i32
      %lt3A_233 = arith.cmpi slt, %add3A_232, %select_n3A : i32
      %convert_element_type3A_234 = arith.extui %lt3A_233 : i1 to i32
      %cond3A_235 = arith.constant 0 : i32
      %cond3A_236 = arith.cmpi ne, %convert_element_type3A_234, %cond3A_235 : i32
      scf.if %cond3A_236 {
        %mul3A_245 = arith.constant 32 : i32
        %mul3A_246 = arith.muli %add3A_232, %mul3A_245 : i32
        %add3A_247 = arith.addi %add3A, %mul3A_246 : i32
        %mul3A_248 = arith.constant 128 : i32
        %mul3A_249 = arith.muli %add3A_247, %mul3A_248 : i32
        %multiple_of3A_250 = tpu.assume_multiple %mul3A_249, 8 : i32
        %dma_start3A_251 = arith.constant 1 : i32
        %dma_start3A_252 = tpu.memref_slice %arg2[%multiple_of3A_250] : memref<640000xi32, #tpu.memory_space<hbm>> -> memref<128xi32, #tpu.memory_space<hbm>>
        %dma_start3A_253 = tpu.memref_slice %arg17[%dma_start3A_251] : memref<3x!tpu.dma_semaphore, #tpu.memory_space<semaphore_mem>> -> memref<1x!tpu.dma_semaphore, #tpu.memory_space<semaphore_mem>>
        %dma_start3A_254 = tpu.memref_squeeze %dma_start3A_253 : memref<1x!tpu.dma_semaphore, #tpu.memory_space<semaphore_mem>> -> memref<!tpu.dma_semaphore, #tpu.memory_space<semaphore_mem>>
        %dma_start3A_255 = tpu.memref_slice %arg2[%multiple_of3A_250] : memref<640000xi32, #tpu.memory_space<hbm>> -> memref<128xi32, #tpu.memory_space<hbm>>
        tpu.enqueue_dma source(%dma_start3A_255 : memref<128xi32, #tpu.memory_space<hbm>>) target(%arg6 : memref<128xi32, #tpu.memory_space<vmem>>) target_semaphore(%dma_start3A_254 : memref<!tpu.dma_semaphore, #tpu.memory_space<semaphore_mem>>)
        %dma_wait3A_256 = arith.constant 1 : i32
        %dma_wait3A_257 = arith.constant 0 : i32
        %dma_wait3A_258 = arith.constant 0 : i32
        %dma_wait3A_259 = tpu.memref_slice %arg14[%dma_wait3A_257, %dma_wait3A_258] : memref<10000x128xf32, #tpu.memory_space<vmem_shared>> -> memref<10000x128xf32, #tpu.memory_space<vmem_shared>>
        %dma_wait3A_260 = tpu.memref_slice %arg16[%dma_wait3A_256] : memref<3x!tpu.dma_semaphore, #tpu.memory_space<semaphore_mem>> -> memref<1x!tpu.dma_semaphore, #tpu.memory_space<semaphore_mem>>
        %dma_wait3A_261 = tpu.memref_squeeze %dma_wait3A_260 : memref<1x!tpu.dma_semaphore, #tpu.memory_space<semaphore_mem>> -> memref<!tpu.dma_semaphore, #tpu.memory_space<semaphore_mem>>
        tpu.wait_indirect_dma semaphore(%dma_wait3A_261 : memref<!tpu.dma_semaphore, #tpu.memory_space<semaphore_mem>>) src(%arg12 : memref<128x128xf32, #tpu.memory_space<vmem>>) dst(%dma_wait3A_259 : memref<10000x128xf32, #tpu.memory_space<vmem_shared>>)
        %mul3A_262 = arith.constant 32 : i32
        %mul3A_263 = arith.muli %add3A_232, %mul3A_262 : i32
        %add3A_264 = arith.addi %add3A, %mul3A_263 : i32
        %mul3A_265 = arith.constant 128 : i32
        %mul3A_266 = arith.muli %add3A_264, %mul3A_265 : i32
        %multiple_of3A_267 = tpu.assume_multiple %mul3A_266, 8 : i32
        %add3A_268 = arith.constant 320000 : i32
        %add3A_269 = arith.addi %add3A_268, %multiple_of3A_267 : i32
        %dma_start3A_270 = arith.constant 1 : i32
        %dma_start3A_271 = tpu.memref_slice %arg2[%add3A_269] : memref<640000xi32, #tpu.memory_space<hbm>> -> memref<128xi32, #tpu.memory_space<hbm>>
        %dma_start3A_272 = tpu.memref_slice %arg17[%dma_start3A_270] : memref<3x!tpu.dma_semaphore, #tpu.memory_space<semaphore_mem>> -> memref<1x!tpu.dma_semaphore, #tpu.memory_space<semaphore_mem>>
        %dma_start3A_273 = tpu.memref_squeeze %dma_start3A_272 : memref<1x!tpu.dma_semaphore, #tpu.memory_space<semaphore_mem>> -> memref<!tpu.dma_semaphore, #tpu.memory_space<semaphore_mem>>
        %dma_start3A_274 = tpu.memref_slice %arg2[%add3A_269] : memref<640000xi32, #tpu.memory_space<hbm>> -> memref<128xi32, #tpu.memory_space<hbm>>
        tpu.enqueue_dma source(%dma_start3A_274 : memref<128xi32, #tpu.memory_space<hbm>>) target(%arg9 : memref<128xi32, #tpu.memory_space<vmem>>) target_semaphore(%dma_start3A_273 : memref<!tpu.dma_semaphore, #tpu.memory_space<semaphore_mem>>)
        %dma_wait3A_275 = arith.constant 1 : i32
        %dma_wait3A_276 = arith.constant 0 : i32
        %dma_wait3A_277 = tpu.memref_slice %arg2[%dma_wait3A_276] : memref<640000xi32, #tpu.memory_space<hbm>> -> memref<128xi32, #tpu.memory_space<hbm>>
        %dma_wait3A_278 = tpu.memref_slice %arg17[%dma_wait3A_275] : memref<3x!tpu.dma_semaphore, #tpu.memory_space<semaphore_mem>> -> memref<1x!tpu.dma_semaphore, #tpu.memory_space<semaphore_mem>>
        %dma_wait3A_279 = tpu.memref_squeeze %dma_wait3A_278 : memref<1x!tpu.dma_semaphore, #tpu.memory_space<semaphore_mem>> -> memref<!tpu.dma_semaphore, #tpu.memory_space<semaphore_mem>>
        %dma_wait3A_280 = arith.constant 0 : i32
        %dma_wait3A_281 = tpu.memref_slice %arg2[%dma_wait3A_280] : memref<640000xi32, #tpu.memory_space<hbm>> -> memref<128xi32, #tpu.memory_space<hbm>>
        tpu.wait_dma2 semaphore(%dma_wait3A_279 : memref<!tpu.dma_semaphore, #tpu.memory_space<semaphore_mem>>) src(%dma_wait3A_281 : memref<128xi32, #tpu.memory_space<hbm>>) dst(%arg6 : memref<128xi32, #tpu.memory_space<vmem>>)
        %dma_wait3A_282 = arith.constant 1 : i32
        %dma_wait3A_283 = arith.constant 0 : i32
        %dma_wait3A_284 = tpu.memref_slice %arg2[%dma_wait3A_283] : memref<640000xi32, #tpu.memory_space<hbm>> -> memref<128xi32, #tpu.memory_space<hbm>>
        %dma_wait3A_285 = tpu.memref_slice %arg17[%dma_wait3A_282] : memref<3x!tpu.dma_semaphore, #tpu.memory_space<semaphore_mem>> -> memref<1x!tpu.dma_semaphore, #tpu.memory_space<semaphore_mem>>
        %dma_wait3A_286 = tpu.memref_squeeze %dma_wait3A_285 : memref<1x!tpu.dma_semaphore, #tpu.memory_space<semaphore_mem>> -> memref<!tpu.dma_semaphore, #tpu.memory_space<semaphore_mem>>
        %dma_wait3A_287 = arith.constant 0 : i32
        %dma_wait3A_288 = tpu.memref_slice %arg2[%dma_wait3A_287] : memref<640000xi32, #tpu.memory_space<hbm>> -> memref<128xi32, #tpu.memory_space<hbm>>
        tpu.wait_dma2 semaphore(%dma_wait3A_286 : memref<!tpu.dma_semaphore, #tpu.memory_space<semaphore_mem>>) src(%dma_wait3A_288 : memref<128xi32, #tpu.memory_space<hbm>>) dst(%arg9 : memref<128xi32, #tpu.memory_space<vmem>>)
        %dma_start3A_289 = arith.constant 1 : i32
        %dma_start3A_290 = arith.constant 0 : i32
        %dma_start3A_291 = arith.constant 0 : i32
        %dma_start3A_292 = tpu.memref_slice %arg3[%dma_start3A_290, %dma_start3A_291] : memref<10000x128xf32, #tpu.memory_space<hbm>> -> memref<10000x128xf32, #tpu.memory_space<hbm>>
        %dma_start3A_293 = tpu.memref_slice %arg15[%dma_start3A_289] : memref<3x!tpu.dma_semaphore, #tpu.memory_space<semaphore_mem>> -> memref<1x!tpu.dma_semaphore, #tpu.memory_space<semaphore_mem>>
        %dma_start3A_294 = tpu.memref_squeeze %dma_start3A_293 : memref<1x!tpu.dma_semaphore, #tpu.memory_space<semaphore_mem>> -> memref<!tpu.dma_semaphore, #tpu.memory_space<semaphore_mem>>
        tpu.enqueue_indirect_dma source(%dma_start3A_292 : memref<10000x128xf32, #tpu.memory_space<hbm>>) target(%arg12 : memref<128x128xf32, #tpu.memory_space<vmem>>) offsets(%arg6 : memref<128xi32, #tpu.memory_space<vmem>>) semaphore(%dma_start3A_294 : memref<!tpu.dma_semaphore, #tpu.memory_space<semaphore_mem>>)
      } else {
      }
      %add3A_237 = arith.constant 3 : i32
      %add3A_238 = arith.addi %mul3A_202, %add3A_237 : i32
      %add3A_239 = arith.constant 2 : i32
      %add3A_240 = arith.addi %add3A_238, %add3A_239 : i32
      %lt3A_241 = arith.cmpi slt, %add3A_240, %select_n3A : i32
      %convert_element_type3A_242 = arith.extui %lt3A_241 : i1 to i32
      %cond3A_243 = arith.constant 0 : i32
      %cond3A_244 = arith.cmpi ne, %convert_element_type3A_242, %cond3A_243 : i32
      scf.if %cond3A_244 {
        %mul3A_245 = arith.constant 32 : i32
        %mul3A_246 = arith.muli %add3A_240, %mul3A_245 : i32
        %add3A_247 = arith.addi %add3A, %mul3A_246 : i32
        %mul3A_248 = arith.constant 128 : i32
        %mul3A_249 = arith.muli %add3A_247, %mul3A_248 : i32
        %multiple_of3A_250 = tpu.assume_multiple %mul3A_249, 8 : i32
        %dma_start3A_251 = arith.constant 2 : i32
        %dma_start3A_252 = tpu.memref_slice %arg2[%multiple_of3A_250] : memref<640000xi32, #tpu.memory_space<hbm>> -> memref<128xi32, #tpu.memory_space<hbm>>
        %dma_start3A_253 = tpu.memref_slice %arg17[%dma_start3A_251] : memref<3x!tpu.dma_semaphore, #tpu.memory_space<semaphore_mem>> -> memref<1x!tpu.dma_semaphore, #tpu.memory_space<semaphore_mem>>
        %dma_start3A_254 = tpu.memref_squeeze %dma_start3A_253 : memref<1x!tpu.dma_semaphore, #tpu.memory_space<semaphore_mem>> -> memref<!tpu.dma_semaphore, #tpu.memory_space<semaphore_mem>>
        %dma_start3A_255 = tpu.memref_slice %arg2[%multiple_of3A_250] : memref<640000xi32, #tpu.memory_space<hbm>> -> memref<128xi32, #tpu.memory_space<hbm>>
        tpu.enqueue_dma source(%dma_start3A_255 : memref<128xi32, #tpu.memory_space<hbm>>) target(%arg7 : memref<128xi32, #tpu.memory_space<vmem>>) target_semaphore(%dma_start3A_254 : memref<!tpu.dma_semaphore, #tpu.memory_space<semaphore_mem>>)
        %dma_wait3A_256 = arith.constant 2 : i32
        %dma_wait3A_257 = arith.constant 0 : i32
        %dma_wait3A_258 = arith.constant 0 : i32
        %dma_wait3A_259 = tpu.memref_slice %arg14[%dma_wait3A_257, %dma_wait3A_258] : memref<10000x128xf32, #tpu.memory_space<vmem_shared>> -> memref<10000x128xf32, #tpu.memory_space<vmem_shared>>
        %dma_wait3A_260 = tpu.memref_slice %arg16[%dma_wait3A_256] : memref<3x!tpu.dma_semaphore, #tpu.memory_space<semaphore_mem>> -> memref<1x!tpu.dma_semaphore, #tpu.memory_space<semaphore_mem>>
        %dma_wait3A_261 = tpu.memref_squeeze %dma_wait3A_260 : memref<1x!tpu.dma_semaphore, #tpu.memory_space<semaphore_mem>> -> memref<!tpu.dma_semaphore, #tpu.memory_space<semaphore_mem>>
        tpu.wait_indirect_dma semaphore(%dma_wait3A_261 : memref<!tpu.dma_semaphore, #tpu.memory_space<semaphore_mem>>) src(%arg13 : memref<128x128xf32, #tpu.memory_space<vmem>>) dst(%dma_wait3A_259 : memref<10000x128xf32, #tpu.memory_space<vmem_shared>>)
        %mul3A_262 = arith.constant 32 : i32
        %mul3A_263 = arith.muli %add3A_240, %mul3A_262 : i32
        %add3A_264 = arith.addi %add3A, %mul3A_263 : i32
        %mul3A_265 = arith.constant 128 : i32
        %mul3A_266 = arith.muli %add3A_264, %mul3A_265 : i32
        %multiple_of3A_267 = tpu.assume_multiple %mul3A_266, 8 : i32
        %add3A_268 = arith.constant 320000 : i32
        %add3A_269 = arith.addi %add3A_268, %multiple_of3A_267 : i32
        %dma_start3A_270 = arith.constant 2 : i32
        %dma_start3A_271 = tpu.memref_slice %arg2[%add3A_269] : memref<640000xi32, #tpu.memory_space<hbm>> -> memref<128xi32, #tpu.memory_space<hbm>>
        %dma_start3A_272 = tpu.memref_slice %arg17[%dma_start3A_270] : memref<3x!tpu.dma_semaphore, #tpu.memory_space<semaphore_mem>> -> memref<1x!tpu.dma_semaphore, #tpu.memory_space<semaphore_mem>>
        %dma_start3A_273 = tpu.memref_squeeze %dma_start3A_272 : memref<1x!tpu.dma_semaphore, #tpu.memory_space<semaphore_mem>> -> memref<!tpu.dma_semaphore, #tpu.memory_space<semaphore_mem>>
        %dma_start3A_274 = tpu.memref_slice %arg2[%add3A_269] : memref<640000xi32, #tpu.memory_space<hbm>> -> memref<128xi32, #tpu.memory_space<hbm>>
        tpu.enqueue_dma source(%dma_start3A_274 : memref<128xi32, #tpu.memory_space<hbm>>) target(%arg10 : memref<128xi32, #tpu.memory_space<vmem>>) target_semaphore(%dma_start3A_273 : memref<!tpu.dma_semaphore, #tpu.memory_space<semaphore_mem>>)
        %dma_wait3A_275 = arith.constant 2 : i32
        %dma_wait3A_276 = arith.constant 0 : i32
        %dma_wait3A_277 = tpu.memref_slice %arg2[%dma_wait3A_276] : memref<640000xi32, #tpu.memory_space<hbm>> -> memref<128xi32, #tpu.memory_space<hbm>>
        %dma_wait3A_278 = tpu.memref_slice %arg17[%dma_wait3A_275] : memref<3x!tpu.dma_semaphore, #tpu.memory_space<semaphore_mem>> -> memref<1x!tpu.dma_semaphore, #tpu.memory_space<semaphore_mem>>
        %dma_wait3A_279 = tpu.memref_squeeze %dma_wait3A_278 : memref<1x!tpu.dma_semaphore, #tpu.memory_space<semaphore_mem>> -> memref<!tpu.dma_semaphore, #tpu.memory_space<semaphore_mem>>
        %dma_wait3A_280 = arith.constant 0 : i32
        %dma_wait3A_281 = tpu.memref_slice %arg2[%dma_wait3A_280] : memref<640000xi32, #tpu.memory_space<hbm>> -> memref<128xi32, #tpu.memory_space<hbm>>
        tpu.wait_dma2 semaphore(%dma_wait3A_279 : memref<!tpu.dma_semaphore, #tpu.memory_space<semaphore_mem>>) src(%dma_wait3A_281 : memref<128xi32, #tpu.memory_space<hbm>>) dst(%arg7 : memref<128xi32, #tpu.memory_space<vmem>>)
        %dma_wait3A_282 = arith.constant 2 : i32
        %dma_wait3A_283 = arith.constant 0 : i32
        %dma_wait3A_284 = tpu.memref_slice %arg2[%dma_wait3A_283] : memref<640000xi32, #tpu.memory_space<hbm>> -> memref<128xi32, #tpu.memory_space<hbm>>
        %dma_wait3A_285 = tpu.memref_slice %arg17[%dma_wait3A_282] : memref<3x!tpu.dma_semaphore, #tpu.memory_space<semaphore_mem>> -> memref<1x!tpu.dma_semaphore, #tpu.memory_space<semaphore_mem>>
        %dma_wait3A_286 = tpu.memref_squeeze %dma_wait3A_285 : memref<1x!tpu.dma_semaphore, #tpu.memory_space<semaphore_mem>> -> memref<!tpu.dma_semaphore, #tpu.memory_space<semaphore_mem>>
        %dma_wait3A_287 = arith.constant 0 : i32
        %dma_wait3A_288 = tpu.memref_slice %arg2[%dma_wait3A_287] : memref<640000xi32, #tpu.memory_space<hbm>> -> memref<128xi32, #tpu.memory_space<hbm>>
        tpu.wait_dma2 semaphore(%dma_wait3A_286 : memref<!tpu.dma_semaphore, #tpu.memory_space<semaphore_mem>>) src(%dma_wait3A_288 : memref<128xi32, #tpu.memory_space<hbm>>) dst(%arg10 : memref<128xi32, #tpu.memory_space<vmem>>)
        %dma_start3A_289 = arith.constant 2 : i32
        %dma_start3A_290 = arith.constant 0 : i32
        %dma_start3A_291 = arith.constant 0 : i32
        %dma_start3A_292 = tpu.memref_slice %arg3[%dma_start3A_290, %dma_start3A_291] : memref<10000x128xf32, #tpu.memory_space<hbm>> -> memref<10000x128xf32, #tpu.memory_space<hbm>>
        %dma_start3A_293 = tpu.memref_slice %arg15[%dma_start3A_289] : memref<3x!tpu.dma_semaphore, #tpu.memory_space<semaphore_mem>> -> memref<1x!tpu.dma_semaphore, #tpu.memory_space<semaphore_mem>>
        %dma_start3A_294 = tpu.memref_squeeze %dma_start3A_293 : memref<1x!tpu.dma_semaphore, #tpu.memory_space<semaphore_mem>> -> memref<!tpu.dma_semaphore, #tpu.memory_space<semaphore_mem>>
        tpu.enqueue_indirect_dma source(%dma_start3A_292 : memref<10000x128xf32, #tpu.memory_space<hbm>>) target(%arg13 : memref<128x128xf32, #tpu.memory_space<vmem>>) offsets(%arg7 : memref<128xi32, #tpu.memory_space<vmem>>) semaphore(%dma_start3A_294 : memref<!tpu.dma_semaphore, #tpu.memory_space<semaphore_mem>>)
      } else {
      }
    }
    %scan3A_174 = arith.constant 27 : i32
    %gt3A = arith.constant 0 : i32
    %gt3A_175 = arith.cmpi sgt, %select_n3A, %gt3A : i32
    %convert_element_type3A_176 = arith.extui %gt3A_175 : i1 to i32
    %cond3A_177 = arith.constant 0 : i32
    %cond3A_178 = arith.cmpi ne, %convert_element_type3A_176, %cond3A_177 : i32
    scf.if %cond3A_178 {
      %dma_wait3A_200 = arith.constant 0 : i32
      %dma_wait3A_201 = arith.constant 0 : i32
      %dma_wait3A_202 = arith.constant 0 : i32
      %dma_wait3A_203 = tpu.memref_slice %arg14[%dma_wait3A_201, %dma_wait3A_202] : memref<10000x128xf32, #tpu.memory_space<vmem_shared>> -> memref<10000x128xf32, #tpu.memory_space<vmem_shared>>
      %dma_wait3A_204 = tpu.memref_slice %arg16[%dma_wait3A_200] : memref<3x!tpu.dma_semaphore, #tpu.memory_space<semaphore_mem>> -> memref<1x!tpu.dma_semaphore, #tpu.memory_space<semaphore_mem>>
      %dma_wait3A_205 = tpu.memref_squeeze %dma_wait3A_204 : memref<1x!tpu.dma_semaphore, #tpu.memory_space<semaphore_mem>> -> memref<!tpu.dma_semaphore, #tpu.memory_space<semaphore_mem>>
      tpu.wait_indirect_dma semaphore(%dma_wait3A_205 : memref<!tpu.dma_semaphore, #tpu.memory_space<semaphore_mem>>) src(%arg11 : memref<128x128xf32, #tpu.memory_space<vmem>>) dst(%dma_wait3A_203 : memref<10000x128xf32, #tpu.memory_space<vmem_shared>>)
    } else {
    }
    %gt3A_179 = arith.constant 1 : i32
    %gt3A_180 = arith.cmpi sgt, %select_n3A, %gt3A_179 : i32
    %convert_element_type3A_181 = arith.extui %gt3A_180 : i1 to i32
    %cond3A_182 = arith.constant 0 : i32
    %cond3A_183 = arith.cmpi ne, %convert_element_type3A_181, %cond3A_182 : i32
    scf.if %cond3A_183 {
      %dma_wait3A_200 = arith.constant 1 : i32
      %dma_wait3A_201 = arith.constant 0 : i32
      %dma_wait3A_202 = arith.constant 0 : i32
      %dma_wait3A_203 = tpu.memref_slice %arg14[%dma_wait3A_201, %dma_wait3A_202] : memref<10000x128xf32, #tpu.memory_space<vmem_shared>> -> memref<10000x128xf32, #tpu.memory_space<vmem_shared>>
      %dma_wait3A_204 = tpu.memref_slice %arg16[%dma_wait3A_200] : memref<3x!tpu.dma_semaphore, #tpu.memory_space<semaphore_mem>> -> memref<1x!tpu.dma_semaphore, #tpu.memory_space<semaphore_mem>>
      %dma_wait3A_205 = tpu.memref_squeeze %dma_wait3A_204 : memref<1x!tpu.dma_semaphore, #tpu.memory_space<semaphore_mem>> -> memref<!tpu.dma_semaphore, #tpu.memory_space<semaphore_mem>>
      tpu.wait_indirect_dma semaphore(%dma_wait3A_205 : memref<!tpu.dma_semaphore, #tpu.memory_space<semaphore_mem>>) src(%arg12 : memref<128x128xf32, #tpu.memory_space<vmem>>) dst(%dma_wait3A_203 : memref<10000x128xf32, #tpu.memory_space<vmem_shared>>)
    } else {
    }
    %gt3A_184 = arith.constant 2 : i32
    %gt3A_185 = arith.cmpi sgt, %select_n3A, %gt3A_184 : i32
    %convert_element_type3A_186 = arith.extui %gt3A_185 : i1 to i32
    %cond3A_187 = arith.constant 0 : i32
    %cond3A_188 = arith.cmpi ne, %convert_element_type3A_186, %cond3A_187 : i32
    scf.if %cond3A_188 {
      %dma_wait3A_200 = arith.constant 2 : i32
      %dma_wait3A_201 = arith.constant 0 : i32
      %dma_wait3A_202 = arith.constant 0 : i32
      %dma_wait3A_203 = tpu.memref_slice %arg14[%dma_wait3A_201, %dma_wait3A_202] : memref<10000x128xf32, #tpu.memory_space<vmem_shared>> -> memref<10000x128xf32, #tpu.memory_space<vmem_shared>>
      %dma_wait3A_204 = tpu.memref_slice %arg16[%dma_wait3A_200] : memref<3x!tpu.dma_semaphore, #tpu.memory_space<semaphore_mem>> -> memref<1x!tpu.dma_semaphore, #tpu.memory_space<semaphore_mem>>
      %dma_wait3A_205 = tpu.memref_squeeze %dma_wait3A_204 : memref<1x!tpu.dma_semaphore, #tpu.memory_space<semaphore_mem>> -> memref<!tpu.dma_semaphore, #tpu.memory_space<semaphore_mem>>
      tpu.wait_indirect_dma semaphore(%dma_wait3A_205 : memref<!tpu.dma_semaphore, #tpu.memory_space<semaphore_mem>>) src(%arg13 : memref<128x128xf32, #tpu.memory_space<vmem>>) dst(%dma_wait3A_203 : memref<10000x128xf32, #tpu.memory_space<vmem_shared>>)
    } else {
    }
    %barrier3A_189 = arith.constant 0 : index
    tpu.barrier barrier_id(%barrier3A_189)
    %lt3A_190 = arith.constant 15 : i32
    %lt3A_191 = arith.cmpi slt, %arg1, %lt3A_190 : i32
    %convert_element_type3A_192 = arith.extui %lt3A_191 : i1 to i32
    %cond3A_193 = arith.constant 0 : i32
    %cond3A_194 = arith.cmpi ne, %convert_element_type3A_192, %cond3A_193 : i32
    scf.if %cond3A_194 {
      "tpu.region"() ({
        %run_scoped3A = tpu.sem_alloc : memref<!tpu.dma_semaphore, #tpu.memory_space<semaphore_mem>>
        %dma_start3A_200 = arith.constant 0 : i32
        %dma_start3A_201 = tpu.memref_slice %arg4[%arg0, %multiple_of3A, %dma_start3A_200] : memref<2x10000x128xf32, #tpu.memory_space<hbm>> -> memref<1x632x128xf32, #tpu.memory_space<hbm>>
        %dma_start3A_202 = tpu.memref_squeeze %dma_start3A_201 : memref<1x632x128xf32, #tpu.memory_space<hbm>> -> memref<632x128xf32, #tpu.memory_space<hbm>>
        %dma_start3A_203 = arith.constant 0 : i32
        %dma_start3A_204 = tpu.memref_slice %arg14[%multiple_of3A, %dma_start3A_203] : memref<10000x128xf32, #tpu.memory_space<vmem_shared>> -> memref<632x128xf32, #tpu.memory_space<vmem_shared>>
        tpu.enqueue_dma source(%dma_start3A_204 : memref<632x128xf32, #tpu.memory_space<vmem_shared>>) target(%dma_start3A_202 : memref<632x128xf32, #tpu.memory_space<hbm>>) target_semaphore(%run_scoped3A : memref<!tpu.dma_semaphore, #tpu.memory_space<semaphore_mem>>)
        %dma_wait3A_205 = arith.constant 0 : i32
        %dma_wait3A_206 = tpu.memref_slice %arg4[%arg0, %multiple_of3A, %dma_wait3A_205] : memref<2x10000x128xf32, #tpu.memory_space<hbm>> -> memref<1x632x128xf32, #tpu.memory_space<hbm>>
        %dma_wait3A_207 = tpu.memref_squeeze %dma_wait3A_206 : memref<1x632x128xf32, #tpu.memory_space<hbm>> -> memref<632x128xf32, #tpu.memory_space<hbm>>
        %dma_wait3A_208 = arith.constant 0 : i32
        %dma_wait3A_209 = tpu.memref_slice %arg14[%multiple_of3A, %dma_wait3A_208] : memref<10000x128xf32, #tpu.memory_space<vmem_shared>> -> memref<632x128xf32, #tpu.memory_space<vmem_shared>>
        tpu.wait_dma2 semaphore(%run_scoped3A : memref<!tpu.dma_semaphore, #tpu.memory_space<semaphore_mem>>) src(%dma_wait3A_209 : memref<632x128xf32, #tpu.memory_space<vmem_shared>>) dst(%dma_wait3A_207 : memref<632x128xf32, #tpu.memory_space<hbm>>)
        tpu.yield
      }) : () -> ()
    } else {
    }
    %eq3A_195 = arith.constant 15 : i32
    %eq3A_196 = arith.cmpi eq, %arg1, %eq3A_195 : i32
    %convert_element_type3A_197 = arith.extui %eq3A_196 : i1 to i32
    %cond3A_198 = arith.constant 0 : i32
    %cond3A_199 = arith.cmpi ne, %convert_element_type3A_197, %cond3A_198 : i32
    scf.if %cond3A_199 {
      "tpu.region"() ({
        %run_scoped3A = tpu.sem_alloc : memref<!tpu.dma_semaphore, #tpu.memory_space<semaphore_mem>>
        %dma_start3A_200 = arith.constant 0 : i32
        %dma_start3A_201 = tpu.memref_slice %arg4[%arg0, %multiple_of3A, %dma_start3A_200] : memref<2x10000x128xf32, #tpu.memory_space<hbm>> -> memref<1x520x128xf32, #tpu.memory_space<hbm>>
        %dma_start3A_202 = tpu.memref_squeeze %dma_start3A_201 : memref<1x520x128xf32, #tpu.memory_space<hbm>> -> memref<520x128xf32, #tpu.memory_space<hbm>>
        %dma_start3A_203 = arith.constant 0 : i32
        %dma_start3A_204 = tpu.memref_slice %arg14[%multiple_of3A, %dma_start3A_203] : memref<10000x128xf32, #tpu.memory_space<vmem_shared>> -> memref<520x128xf32, #tpu.memory_space<vmem_shared>>
        tpu.enqueue_dma source(%dma_start3A_204 : memref<520x128xf32, #tpu.memory_space<vmem_shared>>) target(%dma_start3A_202 : memref<520x128xf32, #tpu.memory_space<hbm>>) target_semaphore(%run_scoped3A : memref<!tpu.dma_semaphore, #tpu.memory_space<semaphore_mem>>)
        %dma_wait3A_205 = arith.constant 0 : i32
        %dma_wait3A_206 = tpu.memref_slice %arg4[%arg0, %multiple_of3A, %dma_wait3A_205] : memref<2x10000x128xf32, #tpu.memory_space<hbm>> -> memref<1x520x128xf32, #tpu.memory_space<hbm>>
        %dma_wait3A_207 = tpu.memref_squeeze %dma_wait3A_206 : memref<1x520x128xf32, #tpu.memory_space<hbm>> -> memref<520x128xf32, #tpu.memory_space<hbm>>
        %dma_wait3A_208 = arith.constant 0 : i32
        %dma_wait3A_209 = tpu.memref_slice %arg14[%multiple_of3A, %dma_wait3A_208] : memref<10000x128xf32, #tpu.memory_space<vmem_shared>> -> memref<520x128xf32, #tpu.memory_space<vmem_shared>>
        tpu.wait_dma2 semaphore(%run_scoped3A : memref<!tpu.dma_semaphore, #tpu.memory_space<semaphore_mem>>) src(%dma_wait3A_209 : memref<520x128xf32, #tpu.memory_space<vmem_shared>>) dst(%dma_wait3A_207 : memref<520x128xf32, #tpu.memory_space<hbm>>)
        tpu.yield
      }) : () -> ()
    } else {
    }
    return
  }
}

module attributes {stable_mosaic.version = 14 : i64} {
  func.func @_out_body(%arg0: i32, %arg1: memref<2x2000x128xf32, #tpu.memory_space<vmem>>, %arg2: memref<2x2000x128xf32, #tpu.memory_space<vmem>>, %arg3: memref<2000x128xf32, #tpu.memory_space<vmem>>) attributes {dimension_semantics = [#tpu.dimension_semantics<arbitrary>], iteration_bounds = array<i64: 5>, scalar_prefetch = 0 : i64, scratch_operands = 0 : i64, tpu.core_type = #tpu.core_type<tc>, window_params = [{transform_indices = @transform_0, window_bounds = array<i64: 2, 2000, 128>}, {transform_indices = @transform_1, window_bounds = array<i64: 2, 2000, 128>}, {transform_indices = @transform_2, window_bounds = array<i64: 2000, 128>}]} {
    %get3A = arith.constant 0 : index
    %get3A_0 = arith.constant 0 : index
    %get3A_1 = arith.constant 0 : index
    %get3A_2 = vector.load %arg2[%get3A, %get3A_0, %get3A_1] : memref<2x2000x128xf32, #tpu.memory_space<vmem>>, vector<1x2000x1xf32>
    %get3A_3 = vector.shape_cast %get3A_2 : vector<1x2000x1xf32> to vector<2000x1xf32>
    %get3A_4 = arith.constant 1 : index
    %get3A_5 = arith.constant 0 : index
    %get3A_6 = arith.constant 0 : index
    %get3A_7 = vector.load %arg2[%get3A_4, %get3A_5, %get3A_6] : memref<2x2000x128xf32, #tpu.memory_space<vmem>>, vector<1x2000x1xf32>
    %get3A_8 = vector.shape_cast %get3A_7 : vector<1x2000x1xf32> to vector<2000x1xf32>
    %add3A = arith.addf %get3A_3, %get3A_8 : vector<2000x1xf32>
    %gt3A = arith.constant 0.000000e+00 : f32
    %gt3A_9 = vector.broadcast %gt3A : f32 to vector<2000x1xf32>
    %gt3A_10 = arith.cmpf ogt, %add3A, %gt3A_9 : vector<2000x1xf32>
    %rsqrt3A = math.rsqrt %add3A : vector<2000x1xf32>
    %jit3A = arith.constant 0.000000e+00 : f32
    %broadcast_in_dim3A = vector.broadcast %jit3A : f32 to vector<2000x1xf32>
    %select_n3A = arith.select %gt3A_10, %rsqrt3A, %broadcast_in_dim3A : vector<2000x1xi1>, vector<2000x1xf32>
    %get3A_11 = arith.constant 0 : index
    %get3A_12 = arith.constant 0 : index
    %get3A_13 = arith.constant 0 : index
    %get3A_14 = vector.load %arg1[%get3A_11, %get3A_12, %get3A_13] : memref<2x2000x128xf32, #tpu.memory_space<vmem>>, vector<1x2000x128xf32>
    %get3A_15 = vector.shape_cast %get3A_14 : vector<1x2000x128xf32> to vector<2000x128xf32>
    %get3A_16 = arith.constant 1 : index
    %get3A_17 = arith.constant 0 : index
    %get3A_18 = arith.constant 0 : index
    %get3A_19 = vector.load %arg1[%get3A_16, %get3A_17, %get3A_18] : memref<2x2000x128xf32, #tpu.memory_space<vmem>>, vector<1x2000x128xf32>
    %get3A_20 = vector.shape_cast %get3A_19 : vector<1x2000x128xf32> to vector<2000x128xf32>
    %add3A_21 = arith.addf %get3A_15, %get3A_20 : vector<2000x128xf32>
    %mul3A = vector.broadcast %select_n3A : vector<2000x1xf32> to vector<2000x128xf32>
    %mul3A_22 = arith.mulf %add3A_21, %mul3A : vector<2000x128xf32>
    %swap3A = arith.constant 0 : index
    %swap3A_23 = arith.constant 0 : index
    %swap3A_24 = vector.load %arg3[%swap3A, %swap3A_23] : memref<2000x128xf32, #tpu.memory_space<vmem>>, vector<2000x128xf32>
    tpu.vector_store %arg3[%swap3A, %swap3A_23], %mul3A_22 {strides = array<i32>} : memref<2000x128xf32, #tpu.memory_space<vmem>>, vector<2000x128xf32>,
    return
  }
  func.func @transform_0(%arg0: i32) -> (i32, i32, i32) {
    %c0_i32 = arith.constant 0 : i32
    %c0_i32_0 = arith.constant 0 : i32
    %c0_i32_1 = arith.constant 0 : i32
    return %c0_i32, %arg0, %c0_i32_0 : i32, i32, i32
  }
  func.func @transform_1(%arg0: i32) -> (i32, i32, i32) {
    %c0_i32 = arith.constant 0 : i32
    %c0_i32_0 = arith.constant 0 : i32
    %c0_i32_1 = arith.constant 0 : i32
    return %c0_i32, %arg0, %c0_i32_0 : i32, i32, i32
  }
  func.func @transform_2(%arg0: i32) -> (i32, i32) {
    %c0_i32 = arith.constant 0 : i32
    %c0_i32_0 = arith.constant 0 : i32
    return %arg0, %c0_i32 : i32, i32
  }
}

module attributes {stable_mosaic.version = 14 : i64} {
  func.func @_g_body(%arg0: i32, %arg1: memref<2000x128xf32, #tpu.memory_space<vmem>>, %arg2: memref<128x128xf32, #tpu.memory_space<vmem>>, %arg3: memref<1x128xf32, #tpu.memory_space<vmem>>, %arg4: memref<2x2000x128xf32, #tpu.memory_space<vmem>>, %arg5: memref<2000x128xf32, #tpu.memory_space<vmem>>) attributes {dimension_semantics = [#tpu.dimension_semantics<arbitrary>], iteration_bounds = array<i64: 5>, scalar_prefetch = 0 : i64, scratch_operands = 0 : i64, tpu.core_type = #tpu.core_type<tc>, window_params = [{transform_indices = @transform_0, window_bounds = array<i64: 2000, 128>}, {pipeline_mode = #tpu.pipeline_mode<synchronous>, transform_indices = @transform_1, window_bounds = array<i64: 128, 128>}, {pipeline_mode = #tpu.pipeline_mode<synchronous>, transform_indices = @transform_2, window_bounds = array<i64: 1, 128>}, {transform_indices = @transform_3, window_bounds = array<i64: 2, 2000, 128>}, {transform_indices = @transform_4, window_bounds = array<i64: 2000, 128>}]} {
    %get3A = arith.constant 0 : index
    %get3A_0 = arith.constant 0 : index
    %get3A_1 = vector.load %arg1[%get3A, %get3A_0] : memref<2000x128xf32, #tpu.memory_space<vmem>>, vector<2000x128xf32>
    %get3A_2 = arith.constant 0 : index
    %get3A_3 = arith.constant 0 : index
    %get3A_4 = vector.load %arg2[%get3A_2, %get3A_3] : memref<128x128xf32, #tpu.memory_space<vmem>>, vector<128x128xf32>
    %dot_general3A = arith.constant dense<0.000000e+00> : vector<2000x128xf32>
    %dot_general3A_5 = tpu.matmul %get3A_1, %get3A_4, %dot_general3A {dimension_numbers = #tpu.dot_dimension_numbers<[1], [1], [0], [0], [0, 0, 1, 0], [], []>, transpose_lhs_hint = false} : vector<2000x128xf32>, vector<128x128xf32>, vector<2000x128xf32> -> vector<2000x128xf32>
    %get3A_6 = arith.constant 0 : index
    %get3A_7 = arith.constant 0 : index
    %get3A_8 = vector.load %arg3[%get3A_6, %get3A_7] : memref<1x128xf32, #tpu.memory_space<vmem>>, vector<1x128xf32>
    %add3A = vector.broadcast %get3A_8 : vector<1x128xf32> to vector<2000x128xf32>
    %add3A_9 = arith.addf %dot_general3A_5, %add3A : vector<2000x128xf32>
    %get3A_10 = arith.constant 0 : index
    %get3A_11 = arith.constant 0 : index
    %get3A_12 = arith.constant 0 : index
    %get3A_13 = vector.load %arg4[%get3A_10, %get3A_11, %get3A_12] : memref<2x2000x128xf32, #tpu.memory_space<vmem>>, vector<1x2000x1xf32>
    %get3A_14 = vector.shape_cast %get3A_13 : vector<1x2000x1xf32> to vector<2000x1xf32>
    %get3A_15 = arith.constant 1 : index
    %get3A_16 = arith.constant 0 : index
    %get3A_17 = arith.constant 0 : index
    %get3A_18 = vector.load %arg4[%get3A_15, %get3A_16, %get3A_17] : memref<2x2000x128xf32, #tpu.memory_space<vmem>>, vector<1x2000x1xf32>
    %get3A_19 = vector.shape_cast %get3A_18 : vector<1x2000x1xf32> to vector<2000x1xf32>
    %add3A_20 = arith.addf %get3A_14, %get3A_19 : vector<2000x1xf32>
    %gt3A = arith.constant 0.000000e+00 : f32
    %gt3A_21 = vector.broadcast %gt3A : f32 to vector<2000x1xf32>
    %gt3A_22 = arith.cmpf ogt, %add3A_20, %gt3A_21 : vector<2000x1xf32>
    %rsqrt3A = math.rsqrt %add3A_20 : vector<2000x1xf32>
    %jit3A = arith.constant 0.000000e+00 : f32
    %broadcast_in_dim3A = vector.broadcast %jit3A : f32 to vector<2000x1xf32>
    %select_n3A = arith.select %gt3A_22, %rsqrt3A, %broadcast_in_dim3A : vector<2000x1xi1>, vector<2000x1xf32>
    %mul3A = vector.broadcast %select_n3A : vector<2000x1xf32> to vector<2000x128xf32>
    %mul3A_23 = arith.mulf %add3A_9, %mul3A : vector<2000x128xf32>
    %swap3A = arith.constant 0 : index
    %swap3A_24 = arith.constant 0 : index
    %swap3A_25 = vector.load %arg5[%swap3A, %swap3A_24] : memref<2000x128xf32, #tpu.memory_space<vmem>>, vector<2000x128xf32>
    tpu.vector_store %arg5[%swap3A, %swap3A_24], %mul3A_23 {strides = array<i32>} : memref<2000x128xf32, #tpu.memory_space<vmem>>, vector<2000x128xf32>,
    return
  }
  func.func @transform_0(%arg0: i32) -> (i32, i32) {
    %c0_i32 = arith.constant 0 : i32
    %c0_i32_0 = arith.constant 0 : i32
    return %arg0, %c0_i32 : i32, i32
  }
  func.func @transform_1(%arg0: i32) -> (i32, i32) {
    %c0_i32 = arith.constant 0 : i32
    %c0_i32_0 = arith.constant 0 : i32
    %c0_i32_1 = arith.constant 0 : i32
    return %c0_i32, %c0_i32_0 : i32, i32
  }
  func.func @transform_2(%arg0: i32) -> (i32, i32) {
    %c0_i32 = arith.constant 0 : i32
    %c0_i32_0 = arith.constant 0 : i32
    %c0_i32_1 = arith.constant 0 : i32
    return %c0_i32, %c0_i32_0 : i32, i32
  }
  func.func @transform_3(%arg0: i32) -> (i32, i32, i32) {
    %c0_i32 = arith.constant 0 : i32
    %c0_i32_0 = arith.constant 0 : i32
    %c0_i32_1 = arith.constant 0 : i32
    return %c0_i32, %arg0, %c0_i32_0 : i32, i32, i32
  }
  func.func @transform_4(%arg0: i32) -> (i32, i32) {
    %c0_i32 = arith.constant 0 : i32
    %c0_i32_0 = arith.constant 0 : i32
    return %arg0, %c0_i32 : i32, i32
  }
}

</mosaic_0001>

<sc_bundles>
// kernel: kernel.6.cloned.1.call-start
scs
__scs_entry_jumppad:
0x0: {  	(pc) =	sbr.rel $0x88, $3  }
0x1: {  	(tag) =	ssettag $0x0;
	lr =	simm.s32 $0x1  }
0x2: {  	[smem:$0x3F9D] =	sst lr;
	_ =	strace $0xD0000000  }
0x3: {  	_ = 	snop  }
0x4: {  	_ = 	snop  }
0x5: {  	_ = 	snop  }
0x6: {  	_ = 	snop  }
0x7: {  	_ = 	snop  }
__scs_overlays_trampoline_lowered:
0x8: {  	[smem:$0x3FAC] =	sst s0  }
0x9: {  	[smem:$0x3FAD] =	sst s1  }
0xa: {  	[smem:$0x3FAE] =	sst s2  }
0xb: {  	[smem:$0x3FAF] =	sst s3  }
0xc: {  	[smem:$0x3FB0] =	sst s4  }
0xd: {  	[smem:$0x3FB1] =	sst s5  }
0xe: {  	[smem:$0x3FB2] =	sst s6  }
0xf: {  	[smem:$0x3FB3] =	sst s7  }
0x10: {  	[smem:$0x3FB4] =	sst s8  }
0x11: {  	[smem:$0x3FB5] =	sst s9;
	s0 =	simm.s32 @!p0 $0x0  }
0x12: {  	s1 =	sld [smem:$0x3F9B];
	s0 =	simm.s32 @p0 $0x1  }
0x13: {  	[smem:$0x3FB6] =	sst s0;
	s0 =	simm.s32 @!p1 $0x0  }
0x14: {  	s2 =	sld [smem:$0x3F9A];
	s0 =	simm.s32 @p1 $0x1  }
0x15: {  	[smem:$0x3FB7] =	sst s0;
	s0 =	simm.s32 @!p2 $0x0  }
0x16: {  	s3 =	sld [smem:$0x3FDB];
	s0 =	simm.s32 @p2 $0x1  }
0x17: {  	s4 =	simm.s32 $0x1BF5;
	[smem:$0x3FB9] =	sst s0  }
0x18: {  	s0 =	sld [smem:$0x3F9C];
	_ =	swait.ge [sflag:s4], $0x0  }
0x19: {  	s7 =	sld [smem:$0x3F9D]  }
0x1a: {  	s8 =	sadd.s32 $0xFFFFE003, lr  }
0x1b: {  	s9 =	sadd.s32 $0xFFFFFEF7, lr;
	s5 =	simm.s32 $0xFFFFFFFF;
	p2 =	slt.u32 s8, $0xFFFFF086  }
0x1c: {  	p1 =	slt.u32 s9, $0xF7A;
	s5 =	simm.s32 @!p2 $0x0  }
0x1d: {  	s5 =	simm.s32 @p1 $0x1;
	p0 =	seq.s32 s7, s2  }
0x1e: {  	s7 =	smul.u32 @!p0 $0xF7A, s2;
	p2 =	seq.s32 @!p0 s5, $0x0  }
0x1f: {  	s9 =	smul.u32 $0xF7A, s1;
	s8 =	simm.s32 @!p0 $0x1BF5;
	p2 =	por !p2, p0  }
0x20: {  	[sflag:s8] =	ssyncset.s32 @!p0 $0xFFFFF086;
	s6 =	sadd.s32 @!p0 s3, s7;
	s7 =	simm.s32 @!p0 $0x108  }
0x21: {  	s3 =	sadd.s32 s3, s9;
	s6 =	sadd.s32 @!p0 $0x88, s6;
	s7 =	simm.s32 @p2 $0x1082  }
0x22: {  	[simem:s7], [sflag:s8] =	dma.local @!p0 [hbm:s6], $0xF7A  }
0x23: {  	s9 =	sor.u32 $0xD0000000, s2;
	s6 =	simm.s32 $0x108;
	_ =	swait.ge @!p0 [sflag:s8], $0x0  }
0x24: {  	s3 =	sadd.s32 $0x88, s3;
	s6 =	simm.s32 @!p1 $0x1082;
	[sflag:s4] =	ssyncset.s32 $0xFFFFF086  }
0x25: {  	[simem:s6], [sflag:s4] =	dma.local [hbm:s3], $0xF7A  }
0x26: {  	[smem:$0x3F9D] =	sst s1;
	(tag) =	ssettag s2;
	_ =	strace s9  }
0x27: {  	s1 =	sld [smem:$0x3FAD]  }
0x28: {  	s2 =	sld [smem:$0x3FAE]  }
0x29: {  	s4 =	sld [smem:$0x3FB0]  }
0x2a: {  	p0 =	seq.s32 s5, $0x0;
	s5 =	sld [smem:$0x3FB1]  }
0x2b: {  	s6 =	sld [smem:$0x3FB2]  }
0x2c: {  	s7 =	sld [smem:$0x3FB3]  }
0x2d: {  	s3 =	simm.s32 $0x108;
	s8 =	sld [smem:$0x3FB4]  }
0x2e: {  	s3 =	simm.s32 @!p0 $0x1082;
	s9 =	sld [smem:$0x3FB5]  }
0x2f: {  	lr =	sadd.s32 s0, s3;
	s0 =	sld [smem:$0x3FAC]  }
0x30: {  	s3 =	sld [smem:$0x3FAF]  }
0x31: {  	[smem:$0x3FB8] =	sst s10  }
0x32: {  	s10 =	sld [smem:$0x3FB6];
	_ =	sdelay $0x3  }
0x33: {  	p0 =	seq.s32 s10, $0x1;
	s10 =	sld [smem:$0x3FB8];
	_ =	sdelay $0x3  }
0x34: {  	[smem:$0x3FB8] =	sst s10  }
0x35: {  	s10 =	sld [smem:$0x3FB7];
	_ =	sdelay $0x3  }
0x36: {  	p1 =	seq.s32 s10, $0x1;
	s10 =	sld [smem:$0x3FB8];
	_ =	sdelay $0x3  }
0x37: {  	[smem:$0x3FB8] =	sst s10  }
0x38: {  	s10 =	sld [smem:$0x3FB9]  }
0x39: {  	_ = 	snop;
	(pc) =	sbr.ind lr, $3  }
0x3a: {  	_ = 	snop  }
0x3b: {  	_ = 	snop  }
0x3c: {  	p2 =	seq.s32 s10, $0x1;
	s10 =	sld [smem:$0x3FB8]  }
0x3d: {  	_ =	shalt  }
0x3e: {  	_ =	shalt  }
0x3f: {  	_ =	shalt  }
0x40: {  	_ =	shalt  }
0x41: {  	_ =	shalt  }
0x42: {  	_ =	shalt  }
0x43: {  	_ =	shalt  }
0x44: {  	_ =	shalt  }
0x45: {  	_ =	shalt  }
0x46: {  	_ =	shalt  }
0x47: {  	_ =	shalt  }
0x48: {  	_ =	shalt  }
0x49: {  	_ =	shalt  }
0x4a: {  	_ =	shalt  }
0x4b: {  	_ =	shalt  }
0x4c: {  	_ =	shalt  }
0x4d: {  	_ =	shalt  }
0x4e: {  	_ =	shalt  }
0x4f: {  	_ =	shalt  }
0x50: {  	_ =	shalt  }
0x51: {  	_ =	shalt  }
0x52: {  	_ =	shalt  }
0x53: {  	_ =	shalt  }
0x54: {  	_ =	shalt  }
0x55: {  	_ =	shalt  }
0x56: {  	_ =	shalt  }
0x57: {  	_ =	shalt  }
0x58: {  	_ =	shalt  }
0x59: {  	_ =	shalt  }
0x5a: {  	_ =	shalt  }
0x5b: {  	_ =	shalt  }
0x5c: {  	_ =	shalt  }
0x5d: {  	_ =	shalt  }
0x5e: {  	_ =	shalt  }
0x5f: {  	_ =	shalt  }
0x60: {  	_ =	shalt  }
0x61: {  	_ =	shalt  }
0x62: {  	_ =	shalt  }
0x63: {  	_ =	shalt  }
0x64: {  	_ =	shalt  }
0x65: {  	_ =	shalt  }
0x66: {  	_ =	shalt  }
0x67: {  	_ =	shalt  }
0x68: {  	_ =	shalt  }
0x69: {  	_ =	shalt  }
0x6a: {  	_ =	shalt  }
0x6b: {  	_ =	shalt  }
0x6c: {  	_ =	shalt  }
0x6d: {  	_ =	shalt  }
0x6e: {  	_ =	shalt  }
0x6f: {  	_ =	shalt  }
0x70: {  	_ =	shalt  }
0x71: {  	_ =	shalt  }
0x72: {  	_ =	shalt  }
0x73: {  	_ =	shalt  }
0x74: {  	_ =	shalt  }
0x75: {  	_ =	shalt  }
0x76: {  	_ =	shalt  }
0x77: {  	_ =	shalt  }
0x78: {  	_ =	shalt  }
0x79: {  	_ =	shalt  }
0x7a: {  	_ =	shalt  }
0x7b: {  	_ =	shalt  }
0x7c: {  	_ =	shalt  }
0x7d: {  	_ =	shalt  }
0x7e: {  	_ =	shalt  }
0x7f: {  	_ =	shalt  }
0x80: {  	_ =	shalt  }
0x81: {  	_ =	shalt  }
0x82: {  	_ =	shalt  }
0x83: {  	_ =	shalt  }
0x84: {  	_ =	shalt  }
0x85: {  	_ =	shalt  }
0x86: {  	_ =	shalt  }
0x87: {  	_ =	shalt  }
.Lfunc_end0:
.L_simem_size_0:
called_computation_lowered:
.L_overlay_start_0:
0x88: {  	s2 =	sld [smem:$0x3FD9]  }
0x89: {  	s3 =	sld [smem:$0x3FFE];
	_ =	sdelay $0x1  }
0x8a: {  	s1 =	srdreg.scid  }
0x8b: {  	s0 =	sand.u32 $0x1, s1  }
0x8c: {  	s16 =	sshll.u32 s0, $0xA;
	s2 =	sadd.s32 s3, s2  }
0x8d: {  	s2 =	sadd.s32 s2, s16  }
0x8e: {  	[smem:$0x3FC4] =	sst s2  }
0x8f: {  	_ = 	snop  }
0x90: {  	(tm) =	ssettm $0x1  }
0x91: {  	s17 =	sld [smem:$0x3FFB];
	_ =	sdelay $0x3  }
0x92: {  	_ =	strace s17  }
0x93: {  	s2 =	sld [smem:$0x3FFC];
	_ =	sdelay $0x3  }
0x94: {  	_ =	strace s2  }
0x95: {  	s2 =	sld [smem:$0x3FFD];
	_ =	sdelay $0x3  }
0x96: {  	_ =	strace s2  }
0x97: {  	_ =	strace $0x8FFFFFFF  }
0x98: {  	s18 =	sld [smem:$0x3FDB];
	_ =	sdelay $0x1  }
0x99: {  	s19 =	simm.s32 $_scs_section_size  }
0x9a: {  	s4 =	simm.s32 $_size__tile_overlayer_lowered;
	s5 =	simm.s32 $_tile_overlayer_lowered  }
0x9b: {  	s22 =	simm.s32 $0x1BFF;
	s21 =	sshll.u32 s5, $0x1;
	s2 =	sadd.s32 s19, s18  }
0x9c: {  	s6 =	simm.s32 $0x0;
	s20 =	sshll.u32 s4, $0x1;
	s4 =	sadd.s32 s21, s2  }
0x9d: {  	[timem:s6], [sflag:s22] =	dma.local [hbm:s4], s20  }
0x9e: {  	_ =	swait.ge [sflag:s22], s20  }
0x9f: {  	s3 =	ssub.s32 $0x0, s20;
	[sflag:s22] =	ssyncset.done $0x0  }
0xa0: {  	[sflag:s22] =	ssyncadd.s32 s3;
	_ =	sdelay $0x1  }
0xa1: {  	s23 =	simm.s32 $0x1B8B  }
0xa2: {  	_ =	swait.ge [sflag:s23], $0x1  }
0xa3: {  	[sflag:s23] =	ssyncset.done $0x0  }
0xa4: {  	s25 =	simm.s32 $0x1B8E;
	s24 =	sld [smem:$0x3FFE];
	[sflag:s23] =	ssyncadd.s32 $0xFFFFFFFF  }
0xa5: {  	s26 =	simm.s32 $execute0_lowered;
	[smem:$0x3FD2] =	sst s25  }
0xa6: {  	s4 =	sshll.u32 s26, $0x1;
	_ =	strace $0x80000046;
	[dreg:$0x1] =	wrdreg $0xFFFFFFFF  }
0xa7: {  	s28 =	simm.s32 $_size_execute0_lowered;
	s2 =	sadd.s32 s2, s4;
	[dreg:$0x0] =	wrdreg $0x0  }
0xa8: {  	s4 =	sshll.u32 s28, $0x1;
	[dreg:$0x2] =	wrdreg s2  }
0xa9: {  	[dreg:$0x3] =	wrdreg s4  }
0xaa: {  	[dreg:$0x4] =	wrdreg $0xC0  }
0xab: {  	_ =	task [dreg:s6], $0x5FFFF  }
0xac: {  	[dreg:$0x1] =	wrdreg $0xFFFFFFFF  }
0xad: {  	[dreg:$0x0] =	wrdreg $0x60  }
0xae: {  	[dreg:$0x2] =	wrdreg s24  }
0xaf: {  	[dreg:$0x3] =	wrdreg $0x1B7100  }
0xb0: {  	[dreg:$0x4] =	wrdreg $0x9  }
0xb1: {  	_ =	task.clear_ibuf [dreg:s6], $0x5FFFF;
	_ =	strace $0x90000046  }
0xb2: {  	s29 =	simm.s32 $0x9;
	_ =	strace $0x80000048  }
0xb3: {  	_ =	swait.ge [sflag:s29], $0x1  }
0xb4: {  	[sflag:s29] =	ssyncadd.s32 $0xFFFFFFFF  }
0xb5: {  	_ =	strace $0x90000048  }
0xb6: {  	_ =	sfence  }
0xb7: {  	s30 =	sld [smem:$0x0];
	_ =	sdelay $0x2  }
0xb8: {  	s31 =	sshll.u32 s1, $0xD;
	s1 =	sshrl.u32 s1, $0x2  }
0xb9: {  	s3 =	sand.u32 $0x4000, s31;
	s1 =	sadd.s32 s1, s30  }
0xba: {  	s0 =	sor.u32 s3, s0;
	s1 =	sshll.u32 s1, $0x11  }
0xbb: {  	s0 =	sor.u32 s1, s0  }
0xbc: {  	s0 =	sadd.s32 $0x8F2B, s0  }
0xbd: {  	[sflag:s0] =	ssyncadd.remote.s32 $0x1  }
0xbe: {  	_ =	sfence.sel $0xFFFF  }
0xbf: {  	[dreg:$0x0] =	wrdreg $0xFFFFFFFF;
	(pc) =	sbr.abs _section_cstart, $3  }
0xc0: {  	[dreg:$0x1] =	wrdreg $0xFFFFFFFF  }
0xc1: {  	_ =	task.clear_ibuf [dreg:s6], $0x2FFFF;
	_ =	strace $0x9FFFFFFF  }
0xc2: {  	(tm) =	ssettm $0x7FFFFFFF  }
0xc3: {  	_ =	shalt  }
tec
execute0_lowered:
.L_overlay_start_1:
0x0: {  	(tag) =	ssettag $0x1  }
0x1: {  	s3 =	rddreg [dreg:$0x0]  }
0x2: {  	s5 =	rddreg [dreg:$0x1];
	s1 =	srdreg.scid  }
0x3: {  	s0 =	rddreg [dreg:$0x2];
	s2 =	simm.s32 $0x0;
	s11 =	simm.s32 $0x280  }
0x4: {  	s12 =	simm.s32 $0x2800;
	s13 =	simm.s32 $0x4F10;
	s4 =	sand.u32 $0x1, s1  }
0x5: {  	s14 =	simm.s32 $0x7710;
	s1 =	stileid.u32;
	s6 =	smul.u32 $0x140000, s4  }
0x6: {  	s15 =	simm.s32 $0x0;
	[smem:$0x7FF] =	sst s2;
	s7 =	smul.u32 $0x14000, s1  }
0x7: {  	s8 =	sshll.u32 s1, $0x1;
	_ =	strace $0x80000047;
	s29 =	smul.u32 $0xA000, s1  }
0x8: {  	s10 =	smul.u32 $0xA00, s1;
	s8 =	sor.u32 s4, s8;
	s4 =	ssub.s32 $0x2, s4  }
0x9: {  	s6 =	sadd.s32 s7, s6;
	s28 =	smul.u32 $0x2710, s8;
	s9 =	sshrl.u32 s4, $0x1  }
0xa: {  	s30 =	sshrl.u32 s29, $0x2;
	s31 =	sshrl.u32 s10, $0x2;
	s8 =	simm.s32 $0x1  }
0xb: {  	s10 =	simm.s32 $0x2;
	s6 =	sshrl.u32 s6, $0x3;
	s9 =	ssub.s32 s4, s9  }
0xc: {  	s4 =	sadd.s32 s30, s5;
	s7 =	sshrl.u32 s28, $0x3;
	s6 =	sadd.s32 s6, s3  }
0xd: {  	v2 =	vlaneseq.u32;
	s5 =	sadd.s32 s31, s5;
	s3 =	sadd.s32 s3, s7;
	s6 =	sadd.s32 $0x15400, s6  }
0xe: {  	v0 =	vimm.f32 $0.0e+00;
	v1 =	vimm.f32 $1.000000000e+00;
	v2 =	vmul.u32 $0x80, v2;
	s7 =	smax.u32 s9, $0x1;
	s9 =	simm.s32 $0x2710;
	s3 =	sadd.s32 $0xB640, s3  }
.LBB2_1:
0xf: {  	[tilespmem:s2], [sflag:$0x1] =	stream.linear.gather [hbm4b:s3+s2], $0x2710, $0x38;
	[tilespmem:$0x1DF10] =	vst v63  }
0x10: {  	s16 =	simm.s32 $0x40;
	s17 =	simm.s32 $0x0  }
.LBB2_2:
0x11: {  	p0 =	sne.s32 s16, $0x9FC0;
	[tilespmem:s17+$0x2710] =	vst v0;
	s17 =	smov.u32 s16;
	s16 =	sadd.s32 $0x40, s16  }
.Ltmp0:
0x12: {  	(pc) =	sbr.rel @p0 .LBB2_2-.Ltmp0, $2  }
0x13: {  	_ =	sdelay $0x2  }
0x14: {  	s17 =	sshra.s32 s17, $0x2  }
0x15: {  	[tilespmem:s17+$0x2710] =	vst v0  }
0x16: {  	_ =	swait.ge [sflag:s8], $0x2710  }
0x17: {  	[sflag:s8] =	ssyncset.done $0x0  }
0x18: {  	s17 =	simm.s32 $0x0;
	s16 =	simm.s32 $0x40;
	[sflag:s8] =	ssyncadd.s32 $0xFFFFD8F0  }
.LBB2_4:
0x19: {  	p0 =	sne.s32 s16, $0x9C00;
	v3 =	vld [tilespmem:s17+$0x0];
	_ =	sdelay $0x3  }
.Ltmp1:
0x1a: {  	(pc) =	sbr.rel @p0 .LBB2_4-.Ltmp1, $2  }
0x1b: {  	_ =	sdelay $0x2  }
0x1c: {  	s17 =	sshra.s32 s16, $0x2;
	s16 =	sadd.s32 $0x40, s16;
	[tilespmem:v3+s9+$0x0] =	vst.idx.add.f32.msk $0xffff, v1  }
0x1d: {  	v3 =	vld [tilespmem:s17+$0x0];
	_ =	sdelay $0x7  }
0x1e: {  	[tilespmem:v3+s9+$0x0] =	vst.idx.add.f32.msk $0xffff, v1  }
0x1f: {  	[spmem:s4] =	stream.linear.scatter [tilespmem:s9], [sflag:$0x2], $0x2800, $0x38;
	[tilespmem:$0x1DF10] =	vst v63  }
0x20: {  	_ =	swait.ge [sflag:s10], $0x2800  }
0x21: {  	[sflag:s10] =	ssyncset.done $0x0  }
0x22: {  	[sflag:s10] =	ssyncadd.s32 $0xFFFFD800  }
0x23: {  	[bflag:$0x0] =	sbarrier.arrive $0xFFFF  }
0x24: {  	[tilespmem:s13], [sflag:$0x2] =	stream.strided.gather [spmem:s5], $0x2800, s12, s11, $0x38;
	[tilespmem:$0x1DF10] =	vst v63  }
0x25: {  	_ =	swait.ge [sflag:s10], $0x2800  }
0x26: {  	[sflag:s10] =	ssyncset.done $0x0  }
0x27: {  	s16 =	simm.s32 $0x6310;
	[sflag:s10] =	ssyncadd.s32 $0xFFFFD800  }
0x28: {  	v3 =	vld [tilespmem:s16+$0xFFFFEE80]  }
0x29: {  	s17 =	simm.s32 $0x0;
	s18 =	simm.s32 $0x10;
	v4 =	vld [tilespmem:s16+$0xFFFFEC00]  }
.LBB2_6:
0x2a: {  	p0 =	sne.s32 s18, $0x270  }
0x2b: {  	v5 =	vld [tilespmem:s16+$0xFFFFF100];
	_ =	sdelay $0x1  }
0x2c: {  	v6 =	vld [tilespmem:s16+$0xFFFFF380]  }
0x2d: {  	v3 =	vadd.f32 v3, v4  }
0x2e: {  	v4 =	vld [tilespmem:s16+$0xFFFFF600]  }
0x2f: {  	v3 =	vadd.f32 v5, v3  }
0x30: {  	v5 =	vld [tilespmem:s16+$0xFFFFF880]  }
0x31: {  	v3 =	vadd.f32 v6, v3  }
0x32: {  	v6 =	vld [tilespmem:s16+$0xFFFFFB00]  }
0x33: {  	v3 =	vadd.f32 v4, v3  }
0x34: {  	v4 =	vld [tilespmem:s16+$0xFFFFFD80]  }
0x35: {  	v3 =	vadd.f32 v5, v3  }
0x36: {  	v5 =	vld [tilespmem:s16+$0x0]  }
0x37: {  	v3 =	vadd.f32 v6, v3  }
0x38: {  	v6 =	vld [tilespmem:s16+$0x280]  }
0x39: {  	v3 =	vadd.f32 v4, v3  }
0x3a: {  	v4 =	vld [tilespmem:s16+$0x500]  }
0x3b: {  	v3 =	vadd.f32 v5, v3  }
0x3c: {  	v5 =	vld [tilespmem:s16+$0x780]  }
0x3d: {  	v3 =	vadd.f32 v6, v3  }
0x3e: {  	v6 =	vld [tilespmem:s16+$0xA00]  }
0x3f: {  	v3 =	vadd.f32 v4, v3  }
0x40: {  	v4 =	vld [tilespmem:s16+$0xC80]  }
0x41: {  	v3 =	vadd.f32 v5, v3  }
0x42: {  	v5 =	vld [tilespmem:s16+$0xF00]  }
0x43: {  	v3 =	vadd.f32 v6, v3  }
0x44: {  	v7 =	vmov s17;
	s17 =	smov.u32 s18;
	v6 =	vld [tilespmem:s16+$0x1180]  }
0x45: {  	v3 =	vadd.f32 v4, v3;
	v4 =	vshll.u32 v7, $0x7  }
0x46: {  	v4 =	vor.u32 v2, v4  }
0x47: {  	v3 =	vadd.f32 v5, v3;
	_ =	sdelay $0x1  }
.Ltmp2:
0x48: {  	v3 =	vadd.f32 v6, v3;
	(pc) =	sbr.rel @p0 .LBB2_6-.Ltmp2, $4  }
0x49: {  	_ = 	snop  }
0x4a: {  	s16 =	sadd.s32 $0x10, s16;
	[tilespmem:v4+s14+$0x0] =	vst.idx.msk $0xffff, v3  }
0x4b: {  	v3 =	vld [tilespmem:s16+$0xFFFFEE80]  }
0x4c: {  	s18 =	sadd.s32 $0x10, s18;
	v4 =	vld [tilespmem:s16+$0xFFFFEC00]  }
0x4d: {  	_ = 	snop  }
0x4e: {  	v5 =	vld [tilespmem:s16+$0xFFFFF100];
	_ =	sdelay $0x1  }
0x4f: {  	v6 =	vld [tilespmem:s16+$0xFFFFF380]  }
0x50: {  	v3 =	vadd.f32 v3, v4  }
0x51: {  	v51 =	vld [tilespmem:s16+$0xFFFFF600]  }
0x52: {  	v3 =	vadd.f32 v5, v3  }
0x53: {  	v52 =	vld [tilespmem:s16+$0xFFFFF880]  }
0x54: {  	v3 =	vadd.f32 v6, v3  }
0x55: {  	v53 =	vld [tilespmem:s16+$0xFFFFFB00]  }
0x56: {  	v3 =	vadd.f32 v51, v3  }
0x57: {  	v54 =	vld [tilespmem:s16+$0xFFFFFD80]  }
0x58: {  	v3 =	vadd.f32 v52, v3  }
0x59: {  	v55 =	vld [tilespmem:s16+$0x0]  }
0x5a: {  	v3 =	vadd.f32 v53, v3  }
0x5b: {  	v56 =	vld [tilespmem:s16+$0x280]  }
0x5c: {  	v3 =	vadd.f32 v54, v3  }
0x5d: {  	v57 =	vld [tilespmem:s16+$0x500]  }
0x5e: {  	v3 =	vadd.f32 v55, v3  }
0x5f: {  	v58 =	vld [tilespmem:s16+$0x780]  }
0x60: {  	v3 =	vadd.f32 v56, v3  }
0x61: {  	v59 =	vld [tilespmem:s16+$0xA00]  }
0x62: {  	v3 =	vadd.f32 v57, v3  }
0x63: {  	v60 =	vld [tilespmem:s16+$0xC80]  }
0x64: {  	v3 =	vadd.f32 v58, v3  }
0x65: {  	v61 =	vld [tilespmem:s16+$0xF00]  }
0x66: {  	v3 =	vadd.f32 v59, v3  }
0x67: {  	v62 =	vld [tilespmem:s16+$0x1180];
	v7 =	vmov s17  }
0x68: {  	v63 =	vshll.u32 v7, $0x7;
	v3 =	vadd.f32 v60, v3  }
0x69: {  	v4 =	vor.u32 v2, v63  }
0x6a: {  	v3 =	vadd.f32 v61, v3;
	_ =	sdelay $0x1  }
0x6b: {  	s15 =	sadd.s32 $0x1, s15;
	v3 =	vadd.f32 v62, v3  }
0x6c: {  	p0 =	sne.s32 s15, s7  }
.Ltmp3:
0x6d: {  	[tilespmem:v4+s14+$0x0] =	vst.idx.msk $0xffff, v3;
	(pc) =	sbr.rel @p0 .LBB2_1-.Ltmp3, $4  }
0x6e: {  	[hbm4b:s6+s2] =	stream.linear.scatter [tilespmem:s14], [sflag:$0x2], $0x14000, $0x38;
	[tilespmem:$0x1DF10] =	vst v63  }
0x6f: {  	_ =	swait.ge [sflag:s10], $0x14000  }
0x70: {  	[sflag:s10] =	ssyncset.done $0x0  }
0x71: {  	[sflag:s10] =	ssyncadd.s32 $0xFFFEC000  }
0x72: {  	_ =	sfence.sel $0x180000  }
0x73: {  	[bflag:$0x0] =	sbarrier.arrive $0xFFFF  }
0x74: {  	p0 =	sne.s32 s1, $0x0;
	_ =	strace $0x90000047  }
0x75: {  	s0 =	sadd.s32 @!p0 $0x100000, s0;
	[bflag:$0x2] =	sbarrier.arrive $0xFFFF  }
0x76: {  	[sflag:s0] =	ssyncadd.tile.s32 @!p0 $0x1;
	_ =	shalt  }
.Lfunc_end2:
_tile_overlayer_lowered:
.L_overlay_start_2:
0x77: {  	(tag) =	ssettag $0x2  }
0x78: {  	s0 =	rddreg [dreg:$0x0];
	s2 =	stileid.u32  }
0x79: {  	s1 =	rddreg [dreg:$0x1];
	p0 =	sne.s32 s2, $0x0  }
0x7a: {  	s3 =	rddreg [dreg:$0x2];
	[bflag:$0x3] =	sbarrier.arrive $0xFFFF;
	s2 =	simm.s32 @!p0 $0x1C02  }
0x7b: {  	[timem:s3], [sflag:s2] =	dma.local @!p0 [hbm:s0], s1  }
0x7c: {  	s0 =	simm.s32 @!p0 $0x2  }
0x7d: {  	_ =	swait.ge @!p0 [sflag:s0], s1  }
0x7e: {  	s1 =	ssub.s32 @!p0 $0x0, s1;
	[sflag:s0] =	ssyncset.done @!p0 $0x0  }
0x7f: {  	[sflag:s0] =	ssyncadd.s32 @!p0 s1  }
0x80: {  	[bflag:$0x3] =	sbarrier.arrive $0xFFFF  }
0x81: {  	_ =	shalt  }

// kernel: kernel.9.cloned.1.call-start
scs
__scs_entry_jumppad:
0x0: {  	(pc) =	sbr.rel $0x88, $3  }
0x1: {  	(tag) =	ssettag $0x0;
	lr =	simm.s32 $0x1  }
0x2: {  	[smem:$0x3F9D] =	sst lr;
	_ =	strace $0xD0000000  }
0x3: {  	_ = 	snop  }
0x4: {  	_ = 	snop  }
0x5: {  	_ = 	snop  }
0x6: {  	_ = 	snop  }
0x7: {  	_ = 	snop  }
__scs_overlays_trampoline_lowered:
0x8: {  	[smem:$0x3FAC] =	sst s0  }
0x9: {  	[smem:$0x3FAD] =	sst s1  }
0xa: {  	[smem:$0x3FAE] =	sst s2  }
0xb: {  	[smem:$0x3FAF] =	sst s3  }
0xc: {  	[smem:$0x3FB0] =	sst s4  }
0xd: {  	[smem:$0x3FB1] =	sst s5  }
0xe: {  	[smem:$0x3FB2] =	sst s6  }
0xf: {  	[smem:$0x3FB3] =	sst s7  }
0x10: {  	[smem:$0x3FB4] =	sst s8  }
0x11: {  	[smem:$0x3FB5] =	sst s9;
	s0 =	simm.s32 @!p0 $0x0  }
0x12: {  	s1 =	sld [smem:$0x3F9B];
	s0 =	simm.s32 @p0 $0x1  }
0x13: {  	[smem:$0x3FB6] =	sst s0;
	s0 =	simm.s32 @!p1 $0x0  }
0x14: {  	s2 =	sld [smem:$0x3F9A];
	s0 =	simm.s32 @p1 $0x1  }
0x15: {  	[smem:$0x3FB7] =	sst s0;
	s0 =	simm.s32 @!p2 $0x0  }
0x16: {  	s3 =	sld [smem:$0x3FDB];
	s0 =	simm.s32 @p2 $0x1  }
0x17: {  	s4 =	simm.s32 $0x1BF5;
	[smem:$0x3FB9] =	sst s0  }
0x18: {  	s0 =	sld [smem:$0x3F9C];
	_ =	swait.ge [sflag:s4], $0x0  }
0x19: {  	s7 =	sld [smem:$0x3F9D]  }
0x1a: {  	s8 =	sadd.s32 $0xFFFFE003, lr  }
0x1b: {  	s9 =	sadd.s32 $0xFFFFFEF7, lr;
	s5 =	simm.s32 $0xFFFFFFFF;
	p2 =	slt.u32 s8, $0xFFFFF086  }
0x1c: {  	p1 =	slt.u32 s9, $0xF7A;
	s5 =	simm.s32 @!p2 $0x0  }
0x1d: {  	s5 =	simm.s32 @p1 $0x1;
	p0 =	seq.s32 s7, s2  }
0x1e: {  	s7 =	smul.u32 @!p0 $0xF7A, s2;
	p2 =	seq.s32 @!p0 s5, $0x0  }
0x1f: {  	s9 =	smul.u32 $0xF7A, s1;
	s8 =	simm.s32 @!p0 $0x1BF5;
	p2 =	por !p2, p0  }
0x20: {  	[sflag:s8] =	ssyncset.s32 @!p0 $0xFFFFF086;
	s6 =	sadd.s32 @!p0 s3, s7;
	s7 =	simm.s32 @!p0 $0x108  }
0x21: {  	s3 =	sadd.s32 s3, s9;
	s6 =	sadd.s32 @!p0 $0x88, s6;
	s7 =	simm.s32 @p2 $0x1082  }
0x22: {  	[simem:s7], [sflag:s8] =	dma.local @!p0 [hbm:s6], $0xF7A  }
0x23: {  	s9 =	sor.u32 $0xD0000000, s2;
	s6 =	simm.s32 $0x108;
	_ =	swait.ge @!p0 [sflag:s8], $0x0  }
0x24: {  	s3 =	sadd.s32 $0x88, s3;
	s6 =	simm.s32 @!p1 $0x1082;
	[sflag:s4] =	ssyncset.s32 $0xFFFFF086  }
0x25: {  	[simem:s6], [sflag:s4] =	dma.local [hbm:s3], $0xF7A  }
0x26: {  	[smem:$0x3F9D] =	sst s1;
	(tag) =	ssettag s2;
	_ =	strace s9  }
0x27: {  	s1 =	sld [smem:$0x3FAD]  }
0x28: {  	s2 =	sld [smem:$0x3FAE]  }
0x29: {  	s4 =	sld [smem:$0x3FB0]  }
0x2a: {  	p0 =	seq.s32 s5, $0x0;
	s5 =	sld [smem:$0x3FB1]  }
0x2b: {  	s6 =	sld [smem:$0x3FB2]  }
0x2c: {  	s7 =	sld [smem:$0x3FB3]  }
0x2d: {  	s3 =	simm.s32 $0x108;
	s8 =	sld [smem:$0x3FB4]  }
0x2e: {  	s3 =	simm.s32 @!p0 $0x1082;
	s9 =	sld [smem:$0x3FB5]  }
0x2f: {  	lr =	sadd.s32 s0, s3;
	s0 =	sld [smem:$0x3FAC]  }
0x30: {  	s3 =	sld [smem:$0x3FAF]  }
0x31: {  	[smem:$0x3FB8] =	sst s10  }
0x32: {  	s10 =	sld [smem:$0x3FB6];
	_ =	sdelay $0x3  }
0x33: {  	p0 =	seq.s32 s10, $0x1;
	s10 =	sld [smem:$0x3FB8];
	_ =	sdelay $0x3  }
0x34: {  	[smem:$0x3FB8] =	sst s10  }
0x35: {  	s10 =	sld [smem:$0x3FB7];
	_ =	sdelay $0x3  }
0x36: {  	p1 =	seq.s32 s10, $0x1;
	s10 =	sld [smem:$0x3FB8];
	_ =	sdelay $0x3  }
0x37: {  	[smem:$0x3FB8] =	sst s10  }
0x38: {  	s10 =	sld [smem:$0x3FB9]  }
0x39: {  	_ = 	snop;
	(pc) =	sbr.ind lr, $3  }
0x3a: {  	_ = 	snop  }
0x3b: {  	_ = 	snop  }
0x3c: {  	p2 =	seq.s32 s10, $0x1;
	s10 =	sld [smem:$0x3FB8]  }
0x3d: {  	_ =	shalt  }
0x3e: {  	_ =	shalt  }
0x3f: {  	_ =	shalt  }
0x40: {  	_ =	shalt  }
0x41: {  	_ =	shalt  }
0x42: {  	_ =	shalt  }
0x43: {  	_ =	shalt  }
0x44: {  	_ =	shalt  }
0x45: {  	_ =	shalt  }
0x46: {  	_ =	shalt  }
0x47: {  	_ =	shalt  }
0x48: {  	_ =	shalt  }
0x49: {  	_ =	shalt  }
0x4a: {  	_ =	shalt  }
0x4b: {  	_ =	shalt  }
0x4c: {  	_ =	shalt  }
0x4d: {  	_ =	shalt  }
0x4e: {  	_ =	shalt  }
0x4f: {  	_ =	shalt  }
0x50: {  	_ =	shalt  }
0x51: {  	_ =	shalt  }
0x52: {  	_ =	shalt  }
0x53: {  	_ =	shalt  }
0x54: {  	_ =	shalt  }
0x55: {  	_ =	shalt  }
0x56: {  	_ =	shalt  }
0x57: {  	_ =	shalt  }
0x58: {  	_ =	shalt  }
0x59: {  	_ =	shalt  }
0x5a: {  	_ =	shalt  }
0x5b: {  	_ =	shalt  }
0x5c: {  	_ =	shalt  }
0x5d: {  	_ =	shalt  }
0x5e: {  	_ =	shalt  }
0x5f: {  	_ =	shalt  }
0x60: {  	_ =	shalt  }
0x61: {  	_ =	shalt  }
0x62: {  	_ =	shalt  }
0x63: {  	_ =	shalt  }
0x64: {  	_ =	shalt  }
0x65: {  	_ =	shalt  }
0x66: {  	_ =	shalt  }
0x67: {  	_ =	shalt  }
0x68: {  	_ =	shalt  }
0x69: {  	_ =	shalt  }
0x6a: {  	_ =	shalt  }
0x6b: {  	_ =	shalt  }
0x6c: {  	_ =	shalt  }
0x6d: {  	_ =	shalt  }
0x6e: {  	_ =	shalt  }
0x6f: {  	_ =	shalt  }
0x70: {  	_ =	shalt  }
0x71: {  	_ =	shalt  }
0x72: {  	_ =	shalt  }
0x73: {  	_ =	shalt  }
0x74: {  	_ =	shalt  }
0x75: {  	_ =	shalt  }
0x76: {  	_ =	shalt  }
0x77: {  	_ =	shalt  }
0x78: {  	_ =	shalt  }
0x79: {  	_ =	shalt  }
0x7a: {  	_ =	shalt  }
0x7b: {  	_ =	shalt  }
0x7c: {  	_ =	shalt  }
0x7d: {  	_ =	shalt  }
0x7e: {  	_ =	shalt  }
0x7f: {  	_ =	shalt  }
0x80: {  	_ =	shalt  }
0x81: {  	_ =	shalt  }
0x82: {  	_ =	shalt  }
0x83: {  	_ =	shalt  }
0x84: {  	_ =	shalt  }
0x85: {  	_ =	shalt  }
0x86: {  	_ =	shalt  }
0x87: {  	_ =	shalt  }
.Lfunc_end0:
.L_simem_size_0:
called_computation.1_lowered:
.L_overlay_start_0:
0x88: {  	s2 =	sld [smem:$0x3FD9]  }
0x89: {  	s3 =	sld [smem:$0x3FFE];
	_ =	sdelay $0x1  }
0x8a: {  	s1 =	srdreg.scid  }
0x8b: {  	s0 =	sand.u32 $0x1, s1  }
0x8c: {  	s17 =	sshll.u32 s0, $0xA;
	s2 =	sadd.s32 s3, s2  }
0x8d: {  	s2 =	sadd.s32 s2, s17  }
0x8e: {  	[smem:$0x3FC4] =	sst s2  }
0x8f: {  	_ = 	snop  }
0x90: {  	s2 =	sld [smem:$0x3FD0];
	(tm) =	ssettm $0x1  }
0x91: {  	s18 =	sld [smem:$0x3FFB];
	_ =	sdelay $0x3  }
0x92: {  	_ =	strace s18  }
0x93: {  	s3 =	sld [smem:$0x3FFC];
	_ =	sdelay $0x3  }
0x94: {  	_ =	strace s3  }
0x95: {  	s3 =	sld [smem:$0x3FFD];
	_ =	sdelay $0x3  }
0x96: {  	_ =	strace s3  }
0x97: {  	_ =	strace $0x8FFFFFFF  }
0x98: {  	s19 =	sld [smem:$0x3FDB];
	_ =	sdelay $0x1  }
0x99: {  	s4 =	simm.s32 $_scs_section_size  }
0x9a: {  	s5 =	simm.s32 $_size__tile_overlayer_lowered;
	s6 =	simm.s32 $_tile_overlayer_lowered  }
0x9b: {  	s22 =	simm.s32 $0x1BFF;
	s21 =	sshll.u32 s6, $0x1;
	s3 =	sadd.s32 s4, s19  }
0x9c: {  	s7 =	simm.s32 $0x0;
	s20 =	sshll.u32 s5, $0x1;
	s5 =	sadd.s32 s21, s3  }
0x9d: {  	[timem:s7], [sflag:s22] =	dma.local [hbm:s5], s20  }
0x9e: {  	_ =	swait.ge [sflag:s22], s20  }
0x9f: {  	s4 =	ssub.s32 $0x0, s20;
	[sflag:s22] =	ssyncset.done $0x0  }
0xa0: {  	[sflag:s22] =	ssyncadd.s32 s4;
	_ =	sdelay $0x1  }
0xa1: {  	s23 =	simm.s32 $0x1B8B  }
0xa2: {  	_ =	swait.ge [sflag:s23], $0x1  }
0xa3: {  	[sflag:s23] =	ssyncset.done $0x0  }
0xa4: {  	s25 =	simm.s32 $0x1B8E;
	s24 =	sld [smem:$0x3FFE];
	[sflag:s23] =	ssyncadd.s32 $0xFFFFFFFF  }
0xa5: {  	s26 =	simm.s32 $execute0_lowered;
	[smem:$0x3FD2] =	sst s25  }
0xa6: {  	s5 =	sshll.u32 s26, $0x1;
	_ =	strace $0x80000049;
	[dreg:$0x1] =	wrdreg $0xFFFFFFFF  }
0xa7: {  	s28 =	simm.s32 $_size_execute0_lowered;
	s3 =	sadd.s32 s3, s5;
	[dreg:$0x0] =	wrdreg $0x0  }
0xa8: {  	s5 =	sshll.u32 s28, $0x1;
	[dreg:$0x2] =	wrdreg s3  }
0xa9: {  	[dreg:$0x3] =	wrdreg s5  }
0xaa: {  	[dreg:$0x4] =	wrdreg $0xC0  }
0xab: {  	_ =	task [dreg:s7], $0x5FFFF  }
0xac: {  	[dreg:$0x1] =	wrdreg $0xFFFFFFFF  }
0xad: {  	[dreg:$0x0] =	wrdreg $0x60  }
0xae: {  	[dreg:$0x2] =	wrdreg s24  }
0xaf: {  	[dreg:$0x3] =	wrdreg s2  }
0xb0: {  	[dreg:$0x4] =	wrdreg $0xC3000  }
0xb1: {  	[dreg:$0x5] =	wrdreg $0x9  }
0xb2: {  	_ =	task.clear_ibuf [dreg:s7], $0x6FFFF;
	_ =	strace $0x90000049  }
0xb3: {  	s29 =	simm.s32 $0x9;
	_ =	strace $0x8000004B  }
0xb4: {  	_ =	swait.ge [sflag:s29], $0x1  }
0xb5: {  	[sflag:s29] =	ssyncadd.s32 $0xFFFFFFFF  }
0xb6: {  	_ =	strace $0x9000004B  }
0xb7: {  	_ =	sfence  }
0xb8: {  	s30 =	sld [smem:$0x0];
	_ =	sdelay $0x2  }
0xb9: {  	s31 =	sshll.u32 s1, $0xD;
	s1 =	sshrl.u32 s1, $0x2  }
0xba: {  	s3 =	sand.u32 $0x4000, s31;
	s1 =	sadd.s32 s1, s30  }
0xbb: {  	s0 =	sor.u32 s3, s0;
	s1 =	sshll.u32 s1, $0x11  }
0xbc: {  	s0 =	sor.u32 s1, s0  }
0xbd: {  	s0 =	sadd.s32 $0x8F2B, s0  }
0xbe: {  	[sflag:s0] =	ssyncadd.remote.s32 $0x1  }
0xbf: {  	_ =	sfence.sel $0xFFFF  }
0xc0: {  	[dreg:$0x0] =	wrdreg $0xFFFFFFFF;
	(pc) =	sbr.abs _section_cstart, $3  }
0xc1: {  	[dreg:$0x1] =	wrdreg $0xFFFFFFFF  }
0xc2: {  	_ =	task.clear_ibuf [dreg:s7], $0x2FFFF;
	_ =	strace $0x9FFFFFFF  }
0xc3: {  	(tm) =	ssettm $0x7FFFFFFF  }
tec
execute0_lowered:
.L_overlay_start_1:
0x0: {  	(tag) =	ssettag $0x1  }
0x1: {  	s0 =	rddreg [dreg:$0x0]  }
0x2: {  	s1 =	rddreg [dreg:$0x1]  }
0x3: {  	s2 =	rddreg [dreg:$0x2];
	s4 =	simm.s32 $0x0;
	s3 =	srdreg.scid  }
0x4: {  	s14 =	stileid.u32;
	s29 =	simm.s32 $0x300;
	s30 =	simm.s32 $0xA  }
0x5: {  	s31 =	simm.s32 $0x7;
	s28 =	simm.s32 $0x5;
	[smem:$0x7FF] =	sst s4  }
0x6: {  	s3 =	sand.u32 $0x1, s3;
	s5 =	sadd.s32 $0x1A00, s0;
	s7 =	sshll.u32 s14, $0x1  }
0x7: {  	s0 =	sadd.s32 $0x15400, s0;
	s10 =	smul.u32 $0x4F000, s14;
	s23 =	sadd.s32 $0x138400, s2  }
0x8: {  	s24 =	sshll.u32 s14, $0x8;
	p0 =	seq.s32 s14, $0xF;
	s7 =	sor.u32 s3, s7  }
0x9: {  	_ =	strace $0x8000004A;
	s9 =	ssub.s32 $0x9E3, s7;
	s7 =	sshll.u32 s7, $0x4  }
0xa: {  	s6 =	ssub.s32 $0x2, s3;
	[dreg:$0x14] =	wrdreg s23;
	s7 =	sadd.s32 s5, s7  }
0xb: {  	s8 =	sshrl.u32 s6, $0x1;
	s15 =	sshrl.u32 s10, $0x2;
	s12 =	sadd.s32 $0x9C40, s7  }
0xc: {  	s8 =	ssub.s32 s6, s8;
	s13 =	sadd.s32 $0x200, s7;
	[dreg:$0xb] =	wrdreg s12  }
0xd: {  	s6 =	sshrl.u32 s9, $0x5;
	s16 =	sadd.s32 $0x9E40, s7;
	[dreg:$0xc] =	wrdreg s13  }
0xe: {  	s9 =	smul.u32 $0x138800, s3;
	s17 =	sadd.s32 $0x400, s7;
	[dreg:$0xd] =	wrdreg s16  }
0xf: {  	s3 =	sshll.u32 s3, $0x7;
	s18 =	sadd.s32 $0xA040, s7;
	[dreg:$0xe] =	wrdreg s17  }
0x10: {  	s11 =	sadd.s32 $0xFFFFFFFF, s6;
	s3 =	sor.u32 s3, s24;
	[dreg:$0xf] =	wrdreg s18  }
0x11: {  	s25 =	sadd.s32 $0xFFFFFFFE, s6;
	s12 =	sadd.s32 s15, s2;
	[dreg:$0x4] =	wrdreg s11  }
0x12: {  	s13 =	smul.u32 $0x13C00, s14;
	s26 =	sadd.s32 $0x53200, s3;
	[dreg:$0x5] =	wrdreg s25  }
0x13: {  	s16 =	sor.u32 $0x5000, s3;
	s18 =	sadd.s32 $0x52200, s3;
	s19 =	sadd.s32 $0x4000, s12  }
0x14: {  	s24 =	sadd.s32 $0x51200, s3;
	s20 =	sadd.s32 $0x8000, s12;
	[dreg:$0x10] =	wrdreg s19  }
0x15: {  	s21 =	sadd.s32 $0xC000, s12;
	s22 =	sadd.s32 $0x10000, s12;
	[dreg:$0x11] =	wrdreg s20  }
0x16: {  	s11 =	sshrl.u32 s26, $0x3;
	s17 =	sshrl.u32 s16, $0x3;
	[dreg:$0x12] =	wrdreg s21  }
0x17: {  	s26 =	smax.u32 s8, $0x1;
	s8 =	simm.s32 $0x0;
	[dreg:$0x13] =	wrdreg s22  }
0x18: {  	s15 =	sadd.s32 s13, s9;
	s11 =	sadd.s32 s11, s5;
	s19 =	sadd.s32 s17, s5  }
0x19: {  	s20 =	sshrl.u32 s18, $0x3;
	s22 =	sor.u32 $0x4000, s3;
	[dreg:$0x17] =	wrdreg s26  }
0x1a: {  	s9 =	sshrl.u32 s9, $0x3;
	s13 =	sor.u32 $0x3000, s3;
	[dreg:$0xa] =	wrdreg s11  }
0x1b: {  	s3 =	simm.s32 $0x6;
	s10 =	sshrl.u32 s15, $0x3;
	[dreg:$0x9] =	wrdreg s19  }
0x1c: {  	s21 =	sadd.s32 s20, s5;
	s23 =	sshrl.u32 s22, $0x3;
	s11 =	sshrl.u32 s24, $0x3  }
0x1d: {  	s24 =	simm.s32 $0x80;
	s10 =	sadd.s32 s0, s10;
	[dreg:$0x8] =	wrdreg s21  }
0x1e: {  	s0 =	sadd.s32 s0, s9;
	s25 =	sadd.s32 s11, s5;
	[dreg:$0x15] =	wrdreg s10  }
0x1f: {  	s11 =	simm.s32 $0x100;
	s10 =	sadd.s32 s23, s5;
	[dreg:$0x6] =	wrdreg s25  }
0x20: {  	s0 =	sadd.s32 $0x25080, s0;
	s25 =	simm.s32 $0x9;
	[dreg:$0x7] =	wrdreg s10  }
0x21: {  	v0 =	vimm.f32 $0.0e+00;
	s23 =	simm.s32 $0x4;
	[dreg:$0x16] =	wrdreg s0;
	s0 =	simm.s32 $0x8  }
.LBB2_1:
0x22: {  	[tilespmem:s4], [sflag:$0x7] =	stream.linear.gather [hbm4b:s7+s4], $0x80, $0x38;
	[tilespmem:$0x1FB80] =	vst v63  }
0x23: {  	s9 =	rddreg [dreg:$0xb]  }
0x24: {  	s10 =	simm.s32 $0x180;
	s18 =	rddreg [dreg:$0xc]  }
0x25: {  	[tilespmem:s10], [sflag:$0x7] =	stream.linear.gather [hbm4b:s9+s4], $0x80, $0x38;
	[tilespmem:$0x1FB80] =	vst v63  }
0x26: {  	s19 =	rddreg [dreg:$0xd]  }
0x27: {  	[tilespmem:s24], [sflag:$0x8] =	stream.linear.gather [hbm4b:s18+s4], $0x80, $0x38;
	[tilespmem:$0x1FB80] =	vst v63  }
0x28: {  	s20 =	simm.s32 $0x200;
	s21 =	rddreg [dreg:$0xe]  }
0x29: {  	[tilespmem:s20], [sflag:$0x8] =	stream.linear.gather [hbm4b:s19+s4], $0x80, $0x38;
	[tilespmem:$0x1FB80] =	vst v63  }
0x2a: {  	s22 =	rddreg [dreg:$0xf]  }
0x2b: {  	[tilespmem:s11], [sflag:$0x9] =	stream.linear.gather [hbm4b:s21+s4], $0x80, $0x38;
	[tilespmem:$0x1FB80] =	vst v63  }
0x2c: {  	s26 =	simm.s32 $0x280;
	s9 =	simm.s32 $0x0;
	s10 =	simm.s32 $0x200  }
0x2d: {  	[tilespmem:s26], [sflag:$0x9] =	stream.linear.gather [hbm4b:s22+s4], $0x80, $0x38;
	[tilespmem:$0x1FB80] =	vst v63  }
.LBB2_2:
0x2e: {  	p1 =	sne.s32 s10, $0xFE00;
	[tilespmem:s9+$0x370] =	vst v0  }
0x2f: {  	[tilespmem:s9+$0x300] =	vst v0  }
0x30: {  	[tilespmem:s9+$0x310] =	vst v0  }
.Ltmp0:
0x31: {  	[tilespmem:s9+$0x320] =	vst v0;
	(pc) =	sbr.rel @p1 .LBB2_2-.Ltmp0, $4  }
0x32: {  	[tilespmem:s9+$0x330] =	vst v0  }
0x33: {  	[tilespmem:s9+$0x340] =	vst v0  }
0x34: {  	[tilespmem:s9+$0x350] =	vst v0  }
0x35: {  	[tilespmem:s9+$0x360] =	vst v0;
	s9 =	sshra.s32 s10, $0x2;
	s10 =	sadd.s32 $0x200, s10  }
0x36: {  	[tilespmem:s9+$0x370] =	vst v0  }
0x37: {  	[tilespmem:s9+$0x300] =	vst v0  }
0x38: {  	[tilespmem:s9+$0x310] =	vst v0  }
0x39: {  	[tilespmem:s9+$0x320] =	vst v0  }
0x3a: {  	[tilespmem:s9+$0x330] =	vst v0  }
0x3b: {  	[tilespmem:s9+$0x340] =	vst v0  }
0x3c: {  	[tilespmem:s9+$0x350] =	vst v0  }
0x3d: {  	[tilespmem:s9+$0x360] =	vst v0  }
0x3e: {  	[spmem:s12] =	stream.linear.scatter [tilespmem:s29], [sflag:$0xA], $0x4000, $0x38;
	[tilespmem:$0x1FB80] =	vst v63  }
0x3f: {  	_ =	swait.ge [sflag:s30], $0x4000  }
0x40: {  	[sflag:s30] =	ssyncset.done $0x0  }
0x41: {  	s16 =	rddreg [dreg:$0x10];
	[sflag:s30] =	ssyncadd.s32 $0xFFFFC000  }
0x42: {  	[spmem:s16] =	stream.linear.scatter [tilespmem:s29], [sflag:$0xA], $0x4000, $0x38;
	[tilespmem:$0x1FB80] =	vst v63  }
0x43: {  	_ =	swait.ge [sflag:s30], $0x4000  }
0x44: {  	[sflag:s30] =	ssyncset.done $0x0  }
0x45: {  	s17 =	rddreg [dreg:$0x11];
	[sflag:s30] =	ssyncadd.s32 $0xFFFFC000  }
0x46: {  	[spmem:s17] =	stream.linear.scatter [tilespmem:s29], [sflag:$0xA], $0x4000, $0x38;
	[tilespmem:$0x1FB80] =	vst v63  }
0x47: {  	_ =	swait.ge [sflag:s30], $0x4000  }
0x48: {  	[sflag:s30] =	ssyncset.done $0x0  }
0x49: {  	s18 =	rddreg [dreg:$0x12];
	[sflag:s30] =	ssyncadd.s32 $0xFFFFC000  }
0x4a: {  	[spmem:s18] =	stream.linear.scatter [tilespmem:s29], [sflag:$0xA], $0x4000, $0x38;
	[tilespmem:$0x1FB80] =	vst v63  }
0x4b: {  	_ =	swait.ge [sflag:s30], $0x4000  }
0x4c: {  	[sflag:s30] =	ssyncset.done $0x0  }
0x4d: {  	s9 =	simm.s32 @p0 $0x300;
	s10 =	rddreg [dreg:$0x14];
	[sflag:s30] =	ssyncadd.s32 $0xFFFFC000  }
0x4e: {  	[spmem:s10] =	stream.linear.scatter @p0 [tilespmem:s9], [sflag:$0xA], $0x400, $0x38;
	[tilespmem:$0x1FB80] =	vst v63  }
0x4f: {  	s9 =	simm.s32 @p0 $0xA  }
0x50: {  	_ =	swait.ge @p0 [sflag:s9], $0x400  }
0x51: {  	[sflag:s9] =	ssyncset.done @p0 $0x0  }
0x52: {  	s10 =	rddreg [dreg:$0x13];
	[sflag:s9] =	ssyncadd.s32 @p0 $0xFFFFFC00;
	s9 =	simm.s32 @!p0 $0x300  }
0x53: {  	[spmem:s10] =	stream.linear.scatter @!p0 [tilespmem:s9], [sflag:$0xA], $0x3C00, $0x38;
	[tilespmem:$0x1FB80] =	vst v63  }
0x54: {  	s9 =	simm.s32 @!p0 $0xA  }
0x55: {  	_ =	swait.ge @!p0 [sflag:s9], $0x3C00  }
0x56: {  	[sflag:s9] =	ssyncset.done @!p0 $0x0  }
0x57: {  	[sflag:s9] =	ssyncadd.s32 @!p0 $0xFFFFC400  }
0x58: {  	[bflag:$0x0] =	sbarrier.arrive $0xFFFF  }
0x59: {  	_ =	swait.ge [sflag:s31], $0x80  }
0x5a: {  	[sflag:s31] =	ssyncset.done $0x0  }
0x5b: {  	[sflag:s31] =	ssyncadd.s32 $0xFFFFFF80  }
0x5c: {  	_ =	swait.ge [sflag:s31], $0x80  }
0x5d: {  	[sflag:s31] =	ssyncset.done $0x0  }
0x5e: {  	s19 =	simm.s32 $0x0;
	[sflag:s31] =	ssyncadd.s32 $0xFFFFFF80  }
0x5f: {  	[tilespmem:s29], [sflag:$0x1] =	stream.indirect.gather [hbm4b:s1+s24], $0x80, s19, s24, $0xb8;
	[tilespmem:$0x1FB80] =	vst v63  }
0x60: {  	_ =	swait.ge [sflag:s0], $0x80  }
0x61: {  	[sflag:s0] =	ssyncset.done $0x0  }
0x62: {  	[sflag:s0] =	ssyncadd.s32 $0xFFFFFF80  }
0x63: {  	_ =	swait.ge [sflag:s0], $0x80  }
0x64: {  	[sflag:s0] =	ssyncset.done $0x0  }
0x65: {  	s20 =	simm.s32 $0x4300;
	[sflag:s0] =	ssyncadd.s32 $0xFFFFFF80  }
0x66: {  	[tilespmem:s20], [sflag:$0x2] =	stream.indirect.gather [hbm4b:s1+s24], $0x80, s24, s24, $0xb8;
	[tilespmem:$0x1FB80] =	vst v63  }
0x67: {  	_ =	swait.ge [sflag:s25], $0x80  }
0x68: {  	[sflag:s25] =	ssyncset.done $0x0  }
0x69: {  	[sflag:s25] =	ssyncadd.s32 $0xFFFFFF80  }
0x6a: {  	p1 =	sle.u32 s6, $0x0;
	_ =	swait.ge [sflag:s25], $0x80  }
0x6b: {  	p1 =	por p1, p1;
	[sflag:s25] =	ssyncset.done $0x0  }
0x6c: {  	s21 =	simm.s32 $0x8300;
	s9 =	simm.s32 @!p1 $0x1;
	[sflag:s25] =	ssyncadd.s32 $0xFFFFFF80  }
0x6d: {  	[tilespmem:s21], [sflag:$0x3] =	stream.indirect.gather [hbm4b:s1+s24], $0x80, s11, s24, $0xb8;
	[tilespmem:$0x1FB80] =	vst v63  }
0x6e: {  	_ =	swait.ge @!p1 [sflag:s9], $0x4000  }
0x6f: {  	s14 =	simm.s32 @!p1 $0x180;
	s10 =	simm.s32 @!p1 $0x80;
	[sflag:s9] =	ssyncset.done @!p1 $0x0  }
0x70: {  	s22 =	rddreg [dreg:$0x4];
	[sflag:s9] =	ssyncadd.s32 @!p1 $0xFFFFC000;
	s9 =	simm.s32 @!p1 $0x300  }
0x71: {  	[spmem:s2] =	stream.indirect.scatter.add.f32 @!p1 [tilespmem:s9], [sflag:$0x4], $0x80, s14, s10, $0xb8;
	[tilespmem:$0x1FB80] =	vst v63  }
0x72: {  	p1 =	sle.u32 s22, $0x0  }
0x73: {  	s9 =	simm.s32 @!p1 $0x2  }
0x74: {  	s10 =	simm.s32 @!p1 $0x4300;
	_ =	swait.ge @!p1 [sflag:s9], $0x4000  }
0x75: {  	s14 =	simm.s32 @!p1 $0x80;
	[sflag:s9] =	ssyncset.done @!p1 $0x0;
	s26 =	rddreg [dreg:$0x5]  }
0x76: {  	s15 =	simm.s32 @!p1 $0x200;
	[sflag:s9] =	ssyncadd.s32 @!p1 $0xFFFFC000;
	p2 =	sle.u32 s26, $0x0  }
0x77: {  	[spmem:s2] =	stream.indirect.scatter.add.f32 @!p1 [tilespmem:s10], [sflag:$0x5], $0x80, s15, s14, $0xb8;
	[tilespmem:$0x1FB80] =	vst v63  }
0x78: {  	s9 =	simm.s32 @!p2 $0x3  }
0x79: {  	p1 =	sle.u32 s6, $0x3;
	_ =	swait.ge @!p2 [sflag:s9], $0x4000  }
0x7a: {  	s10 =	simm.s32 @!p2 $0x8300;
	s11 =	simm.s32 @!p2 $0x80;
	[sflag:s9] =	ssyncset.done @!p2 $0x0  }
0x7b: {  	s14 =	sshrl.u32 @!p1 s13, $0x3;
	[sflag:s9] =	ssyncadd.s32 @!p2 $0xFFFFC000;
	s9 =	simm.s32 @!p2 $0x280  }
0x7c: {  	[spmem:s2] =	stream.indirect.scatter.add.f32 @!p2 [tilespmem:s10], [sflag:$0x6], $0x80, s9, s11, $0xb8;
	[tilespmem:$0x1FB80] =	vst v63  }
0x7d: {  	s9 =	sadd.s32 @!p1 s5, s14;
	s10 =	simm.s32 @!p1 $0x0;
	s11 =	simm.s32 @!p1 $0x4  }
0x7e: {  	[tilespmem:s10], [sflag:$0x7] =	stream.linear.gather @!p1 [hbm4b:s9+s10], $0x80, $0x38;
	[tilespmem:$0x1FB80] =	vst v63  }
0x7f: {  	_ =	swait.ge @!p1 [sflag:s11], $0x4000  }
0x80: {  	s14 =	simm.s32 @!p1 $0x7;
	s9 =	rddreg [dreg:$0x6];
	[sflag:s11] =	ssyncset.done @!p1 $0x0  }
0x81: {  	[sflag:s11] =	ssyncadd.s32 @!p1 $0xFFFFC000;
	s11 =	simm.s32 @!p1 $0x180;
	s9 =	sadd.s32 @!p1 $0x0, s9  }
0x82: {  	[tilespmem:s11], [sflag:$0x7] =	stream.linear.gather @!p1 [hbm4b:s9+s10], $0x80, $0x38;
	[tilespmem:$0x1FB80] =	vst v63  }
0x83: {  	_ =	swait.ge @!p1 [sflag:s14], $0x80  }
0x84: {  	[sflag:s14] =	ssyncset.done @!p1 $0x0  }
0x85: {  	[sflag:s14] =	ssyncadd.s32 @!p1 $0xFFFFFF80  }
0x86: {  	p2 =	sle.u32 s6, $0x4;
	_ =	swait.ge @!p1 [sflag:s14], $0x80  }
0x87: {  	s15 =	simm.s32 @!p1 $0x80;
	s16 =	simm.s32 @!p2 $0x80;
	[sflag:s14] =	ssyncset.done @!p1 $0x0  }
0x88: {  	s9 =	simm.s32 @!p1 $0x300;
	s11 =	rddreg [dreg:$0x7];
	[sflag:s14] =	ssyncadd.s32 @!p1 $0xFFFFFF80  }
0x89: {  	[tilespmem:s9], [sflag:$0x1] =	stream.indirect.gather @!p1 [hbm4b:s1+s15], $0x80, s10, s15, $0xb8;
	[tilespmem:$0x1FB80] =	vst v63  }
0x8a: {  	s11 =	sadd.s32 @!p2 $0x0, s11;
	s9 =	simm.s32 @!p2 $0x0;
	s10 =	simm.s32 @!p2 $0x5  }
0x8b: {  	[tilespmem:s16], [sflag:$0x8] =	stream.linear.gather @!p2 [hbm4b:s11+s9], $0x80, $0x38;
	[tilespmem:$0x1FB80] =	vst v63  }
0x8c: {  	_ =	swait.ge @!p2 [sflag:s10], $0x4000  }
0x8d: {  	s14 =	simm.s32 @!p2 $0x8;
	s11 =	rddreg [dreg:$0x8];
	[sflag:s10] =	ssyncset.done @!p2 $0x0  }
0x8e: {  	[sflag:s10] =	ssyncadd.s32 @!p2 $0xFFFFC000;
	s10 =	simm.s32 @!p2 $0x200;
	s11 =	sadd.s32 @!p2 $0x0, s11  }
0x8f: {  	[tilespmem:s10], [sflag:$0x8] =	stream.linear.gather @!p2 [hbm4b:s11+s9], $0x80, $0x38;
	[tilespmem:$0x1FB80] =	vst v63  }
0x90: {  	_ =	swait.ge @!p2 [sflag:s14], $0x80  }
0x91: {  	[sflag:s14] =	ssyncset.done @!p2 $0x0  }
0x92: {  	[sflag:s14] =	ssyncadd.s32 @!p2 $0xFFFFFF80  }
0x93: {  	_ =	swait.ge @!p2 [sflag:s14], $0x80  }
0x94: {  	p4 =	sle.u32 s6, $0x5;
	s10 =	simm.s32 @!p2 $0x4300;
	[sflag:s14] =	ssyncset.done @!p2 $0x0  }
0x95: {  	s11 =	simm.s32 @!p4 $0x0;
	s9 =	rddreg [dreg:$0x9];
	[sflag:s14] =	ssyncadd.s32 @!p2 $0xFFFFFF80  }
0x96: {  	[tilespmem:s10], [sflag:$0x2] =	stream.indirect.gather @!p2 [hbm4b:s1+s16], $0x80, s16, s16, $0xb8;
	[tilespmem:$0x1FB80] =	vst v63  }
0x97: {  	s9 =	sadd.s32 @!p4 $0x0, s9;
	s10 =	simm.s32 @!p4 $0x6;
	s16 =	simm.s32 @!p4 $0x100  }
0x98: {  	[tilespmem:s16], [sflag:$0x9] =	stream.linear.gather @!p4 [hbm4b:s9+s11], $0x80, $0x38;
	[tilespmem:$0x1FB80] =	vst v63  }
0x99: {  	_ =	swait.ge @!p4 [sflag:s10], $0x4000  }
0x9a: {  	s17 =	simm.s32 @!p4 $0x9;
	s9 =	rddreg [dreg:$0xa];
	[sflag:s10] =	ssyncset.done @!p4 $0x0  }
0x9b: {  	[sflag:s10] =	ssyncadd.s32 @!p4 $0xFFFFC000;
	s10 =	simm.s32 @!p4 $0x280;
	s9 =	sadd.s32 @!p4 $0x0, s9  }
0x9c: {  	[tilespmem:s10], [sflag:$0x9] =	stream.linear.gather @!p4 [hbm4b:s9+s11], $0x80, $0x38;
	[tilespmem:$0x1FB80] =	vst v63  }
0x9d: {  	s18 =	simm.s32 @!p4 $0x8300;
	s19 =	simm.s32 @!p4 $0x80;
	_ =	swait.ge @!p4 [sflag:s17], $0x80  }
0x9e: {  	s22 =	smov.u32 s13;
	p1 =	por p1, p1;
	[sflag:s17] =	ssyncset.done @!p4 $0x0  }
0x9f: {  	s14 =	simm.s32 $0xC00;
	s9 =	simm.s32 $0x600;
	[sflag:s17] =	ssyncadd.s32 @!p4 $0xFFFFFF80  }
0xa0: {  	s10 =	simm.s32 $0x3;
	s11 =	simm.s32 $0x6;
	_ =	swait.ge @!p4 [sflag:s17], $0x80  }
.LBB2_4:
0xa1: {  	[sflag:s17] =	ssyncset.done @!p4 $0x0  }
0xa2: {  	s26 =	simm.s32 @!p1 $0x1;
	[sflag:s17] =	ssyncadd.s32 @!p4 $0xFFFFFF80  }
0xa3: {  	[tilespmem:s18], [sflag:$0x3] =	stream.indirect.gather @!p4 [hbm4b:s1+s19], $0x80, s16, s19, $0xb8;
	[tilespmem:$0x1FB80] =	vst v63  }
0xa4: {  	s17 =	simm.s32 @!p1 $0x180;
	_ =	swait.ge @!p1 [sflag:s26], $0x4000  }
0xa5: {  	s16 =	simm.s32 @!p1 $0x80;
	[sflag:s26] =	ssyncset.done @!p1 $0x0;
	s21 =	rddreg [dreg:$0x4]  }
0xa6: {  	s19 =	simm.s32 @!p1 $0x300;
	[sflag:s26] =	ssyncadd.s32 @!p1 $0xFFFFC000;
	p4 =	sge.u32 s10, s21  }
0xa7: {  	[spmem:s2] =	stream.indirect.scatter.add.f32 @!p1 [tilespmem:s19], [sflag:$0x4], $0x80, s17, s16, $0xb8;
	[tilespmem:$0x1FB80] =	vst v63  }
0xa8: {  	s16 =	simm.s32 @!p4 $0x2  }
0xa9: {  	_ =	swait.ge @!p4 [sflag:s16], $0x4000  }
0xaa: {  	s17 =	simm.s32 @!p4 $0x4300;
	s18 =	simm.s32 @!p4 $0x80;
	[sflag:s16] =	ssyncset.done @!p4 $0x0  }
0xab: {  	s19 =	simm.s32 @!p4 $0x200;
	s20 =	rddreg [dreg:$0x5];
	[sflag:s16] =	ssyncadd.s32 @!p4 $0xFFFFC000  }
0xac: {  	[spmem:s2] =	stream.indirect.scatter.add.f32 @!p4 [tilespmem:s17], [sflag:$0x5], $0x80, s19, s18, $0xb8;
	[tilespmem:$0x1FB80] =	vst v63  }
0xad: {  	p4 =	sge.u32 s10, s20  }
0xae: {  	s16 =	simm.s32 @!p4 $0x3  }
0xaf: {  	s22 =	sadd.s32 $0x3000, s22;
	p3 =	sge.u32 s11, s6;
	_ =	swait.ge @!p4 [sflag:s16], $0x4000  }
0xb0: {  	s19 =	sshrl.u32 @!p3 s22, $0x3;
	s17 =	simm.s32 @!p4 $0x8300;
	[sflag:s16] =	ssyncset.done @!p4 $0x0  }
0xb1: {  	s18 =	simm.s32 @!p4 $0x80;
	[sflag:s16] =	ssyncadd.s32 @!p4 $0xFFFFC000;
	s16 =	simm.s32 @!p4 $0x280  }
0xb2: {  	[spmem:s2] =	stream.indirect.scatter.add.f32 @!p4 [tilespmem:s17], [sflag:$0x6], $0x80, s16, s18, $0xb8;
	[tilespmem:$0x1FB80] =	vst v63  }
0xb3: {  	s19 =	sadd.s32 @!p3 s5, s19;
	s16 =	simm.s32 @!p3 $0x0;
	s17 =	simm.s32 @!p3 $0x4  }
0xb4: {  	[tilespmem:s16], [sflag:$0x7] =	stream.linear.gather @!p3 [hbm4b:s19+s16], $0x80, $0x38;
	[tilespmem:$0x1FB80] =	vst v63  }
0xb5: {  	_ =	swait.ge @!p3 [sflag:s17], $0x4000  }
0xb6: {  	s19 =	simm.s32 @!p3 $0x7;
	[sflag:s17] =	ssyncset.done @!p3 $0x0;
	s18 =	rddreg [dreg:$0x6]  }
0xb7: {  	[sflag:s17] =	ssyncadd.s32 @!p3 $0xFFFFC000;
	s17 =	simm.s32 @!p3 $0x180;
	s18 =	sadd.s32 @!p3 s9, s18  }
0xb8: {  	[tilespmem:s17], [sflag:$0x7] =	stream.linear.gather @!p3 [hbm4b:s18+s16], $0x80, $0x38;
	[tilespmem:$0x1FB80] =	vst v63  }
0xb9: {  	_ =	swait.ge @!p3 [sflag:s19], $0x80  }
0xba: {  	[sflag:s19] =	ssyncset.done @!p3 $0x0  }
0xbb: {  	s21 =	sadd.s32 $0x4, s10;
	[sflag:s19] =	ssyncadd.s32 @!p3 $0xFFFFFF80  }
0xbc: {  	p5 =	sge.u32 s21, s6;
	_ =	swait.ge @!p3 [sflag:s19], $0x80  }
0xbd: {  	s26 =	simm.s32 @!p3 $0x80;
	s21 =	simm.s32 @!p5 $0x5;
	[sflag:s19] =	ssyncset.done @!p3 $0x0  }
0xbe: {  	s17 =	simm.s32 @!p3 $0x300;
	s18 =	rddreg [dreg:$0x7];
	[sflag:s19] =	ssyncadd.s32 @!p3 $0xFFFFFF80  }
0xbf: {  	[tilespmem:s17], [sflag:$0x1] =	stream.indirect.gather @!p3 [hbm4b:s1+s26], $0x80, s16, s26, $0xb8;
	[tilespmem:$0x1FB80] =	vst v63  }
0xc0: {  	s20 =	simm.s32 @!p5 $0x80;
	s19 =	simm.s32 @!p5 $0x0;
	s16 =	sadd.s32 @!p5 s9, s18  }
0xc1: {  	[tilespmem:s20], [sflag:$0x8] =	stream.linear.gather @!p5 [hbm4b:s16+s19], $0x80, $0x38;
	[tilespmem:$0x1FB80] =	vst v63  }
0xc2: {  	_ =	swait.ge @!p5 [sflag:s21], $0x4000  }
0xc3: {  	s17 =	simm.s32 @!p5 $0x200;
	[sflag:s21] =	ssyncset.done @!p5 $0x0;
	s16 =	rddreg [dreg:$0x8]  }
0xc4: {  	s18 =	simm.s32 @!p5 $0x8;
	[sflag:s21] =	ssyncadd.s32 @!p5 $0xFFFFC000;
	s16 =	sadd.s32 @!p5 s9, s16  }
0xc5: {  	[tilespmem:s17], [sflag:$0x8] =	stream.linear.gather @!p5 [hbm4b:s16+s19], $0x80, $0x38;
	[tilespmem:$0x1FB80] =	vst v63  }
0xc6: {  	_ =	swait.ge @!p5 [sflag:s18], $0x80  }
0xc7: {  	[sflag:s18] =	ssyncset.done @!p5 $0x0  }
0xc8: {  	[sflag:s18] =	ssyncadd.s32 @!p5 $0xFFFFFF80  }
0xc9: {  	s26 =	sadd.s32 $0x5, s10;
	_ =	swait.ge @!p5 [sflag:s18], $0x80  }
0xca: {  	p4 =	sge.u32 s26, s6;
	s16 =	simm.s32 @!p5 $0x4300;
	[sflag:s18] =	ssyncset.done @!p5 $0x0  }
0xcb: {  	s17 =	simm.s32 @!p4 $0x6;
	s10 =	rddreg [dreg:$0x9];
	[sflag:s18] =	ssyncadd.s32 @!p5 $0xFFFFFF80  }
0xcc: {  	[tilespmem:s16], [sflag:$0x2] =	stream.indirect.gather @!p5 [hbm4b:s1+s20], $0x80, s20, s20, $0xb8;
	[tilespmem:$0x1FB80] =	vst v63  }
0xcd: {  	s18 =	simm.s32 @!p4 $0x0;
	s19 =	sadd.s32 @!p4 s9, s10;
	s16 =	simm.s32 @!p4 $0x100  }
0xce: {  	[tilespmem:s16], [sflag:$0x9] =	stream.linear.gather @!p4 [hbm4b:s19+s18], $0x80, $0x38;
	[tilespmem:$0x1FB80] =	vst v63  }
0xcf: {  	s15 =	smov.u32 s14;
	s14 =	sadd.s32 $0x600, s14;
	_ =	swait.ge @!p4 [sflag:s17], $0x4000  }
0xd0: {  	p2 =	sne.s32 s14, $0xA200;
	[sflag:s17] =	ssyncset.done @!p4 $0x0;
	s19 =	rddreg [dreg:$0xa]  }
0xd1: {  	s20 =	simm.s32 @!p4 $0x280;
	[sflag:s17] =	ssyncadd.s32 @!p4 $0xFFFFC000;
	s19 =	sadd.s32 @!p4 s9, s19  }
0xd2: {  	[tilespmem:s20], [sflag:$0x9] =	stream.linear.gather @!p4 [hbm4b:s19+s18], $0x80, $0x38;
	[tilespmem:$0x1FB80] =	vst v63  }
.Ltmp1:
0xd3: {  	s17 =	simm.s32 @!p4 $0x9;
	(pc) =	sbr.rel @p2 .LBB2_4-.Ltmp1, $4  }
0xd4: {  	_ =	swait.ge @!p4 [sflag:s17], $0x80  }
0xd5: {  	p1 =	por p3, p3;
	s10 =	smov.u32 s11;
	[sflag:s17] =	ssyncset.done @!p4 $0x0  }
0xd6: {  	s11 =	sadd.s32 $0x3, s11;
	s9 =	smov.u32 s15;
	[sflag:s17] =	ssyncadd.s32 @!p4 $0xFFFFFF80  }
0xd7: {  	s18 =	simm.s32 @!p4 $0x8300;
	s19 =	simm.s32 @!p4 $0x80;
	_ =	swait.ge @!p4 [sflag:s17], $0x80  }
0xd8: {  	[sflag:s17] =	ssyncset.done @!p4 $0x0  }
0xd9: {  	s14 =	simm.s32 @!p1 $0x1;
	[sflag:s17] =	ssyncadd.s32 @!p4 $0xFFFFFF80  }
0xda: {  	[tilespmem:s18], [sflag:$0x3] =	stream.indirect.gather @!p4 [hbm4b:s1+s19], $0x80, s16, s19, $0xb8;
	[tilespmem:$0x1FB80] =	vst v63  }
0xdb: {  	_ =	swait.ge @!p1 [sflag:s14], $0x4000  }
0xdc: {  	s15 =	simm.s32 @!p1 $0x80;
	s17 =	simm.s32 @!p1 $0x180;
	[sflag:s14] =	ssyncset.done @!p1 $0x0  }
0xdd: {  	s19 =	rddreg [dreg:$0x4];
	[sflag:s14] =	ssyncadd.s32 @!p1 $0xFFFFC000;
	s14 =	simm.s32 @!p1 $0x300  }
0xde: {  	[spmem:s2] =	stream.indirect.scatter.add.f32 @!p1 [tilespmem:s14], [sflag:$0x4], $0x80, s17, s15, $0xb8;
	[tilespmem:$0x1FB80] =	vst v63  }
0xdf: {  	p1 =	sge.u32 s10, s19  }
0xe0: {  	s14 =	simm.s32 @!p1 $0x2  }
0xe1: {  	s15 =	simm.s32 @!p1 $0x4300;
	_ =	swait.ge @!p1 [sflag:s14], $0x4000  }
0xe2: {  	s17 =	simm.s32 @!p1 $0x80;
	[sflag:s14] =	ssyncset.done @!p1 $0x0;
	s20 =	rddreg [dreg:$0x5]  }
0xe3: {  	s18 =	simm.s32 @!p1 $0x200;
	[sflag:s14] =	ssyncadd.s32 @!p1 $0xFFFFC000;
	p2 =	sge.u32 s10, s20  }
0xe4: {  	[spmem:s2] =	stream.indirect.scatter.add.f32 @!p1 [tilespmem:s15], [sflag:$0x5], $0x80, s18, s17, $0xb8;
	[tilespmem:$0x1FB80] =	vst v63  }
0xe5: {  	s14 =	simm.s32 @!p2 $0x3  }
0xe6: {  	s15 =	sadd.s32 $0x3000, s22;
	s16 =	simm.s32 @!p2 $0x8300;
	_ =	swait.ge @!p2 [sflag:s14], $0x4000  }
0xe7: {  	p1 =	sge.u32 s11, s6;
	s11 =	simm.s32 @!p2 $0x80;
	[sflag:s14] =	ssyncset.done @!p2 $0x0  }
0xe8: {  	s15 =	sshrl.u32 @!p1 s15, $0x3;
	[sflag:s14] =	ssyncadd.s32 @!p2 $0xFFFFC000;
	s14 =	simm.s32 @!p2 $0x280  }
0xe9: {  	[spmem:s2] =	stream.indirect.scatter.add.f32 @!p2 [tilespmem:s16], [sflag:$0x6], $0x80, s14, s11, $0xb8;
	[tilespmem:$0x1FB80] =	vst v63  }
0xea: {  	s11 =	sadd.s32 @!p1 s5, s15;
	s14 =	simm.s32 @!p1 $0x0;
	s15 =	simm.s32 @!p1 $0x4  }
0xeb: {  	[tilespmem:s14], [sflag:$0x7] =	stream.linear.gather @!p1 [hbm4b:s11+s14], $0x80, $0x38;
	[tilespmem:$0x1FB80] =	vst v63  }
0xec: {  	_ =	swait.ge @!p1 [sflag:s15], $0x4000  }
0xed: {  	s16 =	simm.s32 @!p1 $0x7;
	s11 =	rddreg [dreg:$0x6];
	[sflag:s15] =	ssyncset.done @!p1 $0x0  }
0xee: {  	[sflag:s15] =	ssyncadd.s32 @!p1 $0xFFFFC000;
	s15 =	simm.s32 @!p1 $0x180;
	s11 =	sadd.s32 @!p1 s9, s11  }
0xef: {  	[tilespmem:s15], [sflag:$0x7] =	stream.linear.gather @!p1 [hbm4b:s11+s14], $0x80, $0x38;
	[tilespmem:$0x1FB80] =	vst v63  }
0xf0: {  	_ =	swait.ge @!p1 [sflag:s16], $0x80  }
0xf1: {  	[sflag:s16] =	ssyncset.done @!p1 $0x0  }
0xf2: {  	s21 =	sadd.s32 $0x4, s10;
	[sflag:s16] =	ssyncadd.s32 @!p1 $0xFFFFFF80  }
0xf3: {  	p2 =	sge.u32 s21, s6;
	_ =	swait.ge @!p1 [sflag:s16], $0x80  }
0xf4: {  	s17 =	simm.s32 @!p1 $0x80;
	s18 =	simm.s32 @!p2 $0x80;
	[sflag:s16] =	ssyncset.done @!p1 $0x0  }
0xf5: {  	s11 =	simm.s32 @!p1 $0x300;
	s15 =	rddreg [dreg:$0x7];
	[sflag:s16] =	ssyncadd.s32 @!p1 $0xFFFFFF80  }
0xf6: {  	[tilespmem:s11], [sflag:$0x1] =	stream.indirect.gather @!p1 [hbm4b:s1+s17], $0x80, s14, s17, $0xb8;
	[tilespmem:$0x1FB80] =	vst v63  }
0xf7: {  	s15 =	sadd.s32 @!p2 s9, s15;
	s11 =	simm.s32 @!p2 $0x0;
	s14 =	simm.s32 @!p2 $0x5  }
0xf8: {  	[tilespmem:s18], [sflag:$0x8] =	stream.linear.gather @!p2 [hbm4b:s15+s11], $0x80, $0x38;
	[tilespmem:$0x1FB80] =	vst v63  }
0xf9: {  	_ =	swait.ge @!p2 [sflag:s14], $0x4000  }
0xfa: {  	s16 =	simm.s32 @!p2 $0x8;
	s15 =	rddreg [dreg:$0x8];
	[sflag:s14] =	ssyncset.done @!p2 $0x0  }
0xfb: {  	[sflag:s14] =	ssyncadd.s32 @!p2 $0xFFFFC000;
	s14 =	simm.s32 @!p2 $0x200;
	s15 =	sadd.s32 @!p2 s9, s15  }
0xfc: {  	[tilespmem:s14], [sflag:$0x8] =	stream.linear.gather @!p2 [hbm4b:s15+s11], $0x80, $0x38;
	[tilespmem:$0x1FB80] =	vst v63  }
0xfd: {  	_ =	swait.ge @!p2 [sflag:s16], $0x80  }
0xfe: {  	[sflag:s16] =	ssyncset.done @!p2 $0x0  }
0xff: {  	[sflag:s16] =	ssyncadd.s32 @!p2 $0xFFFFFF80  }
0x100: {  	s22 =	sadd.s32 $0x5, s10;
	_ =	swait.ge @!p2 [sflag:s16], $0x80  }
0x101: {  	p1 =	sge.u32 s22, s6;
	s11 =	simm.s32 @!p2 $0x4300;
	[sflag:s16] =	ssyncset.done @!p2 $0x0  }
0x102: {  	s14 =	simm.s32 @!p1 $0x0;
	s10 =	rddreg [dreg:$0x9];
	[sflag:s16] =	ssyncadd.s32 @!p2 $0xFFFFFF80  }
0x103: {  	[tilespmem:s11], [sflag:$0x2] =	stream.indirect.gather @!p2 [hbm4b:s1+s18], $0x80, s18, s18, $0xb8;
	[tilespmem:$0x1FB80] =	vst v63  }
0x104: {  	s15 =	simm.s32 @!p1 $0x100;
	s10 =	sadd.s32 @!p1 s9, s10;
	s11 =	simm.s32 @!p1 $0x6  }
0x105: {  	[tilespmem:s15], [sflag:$0x9] =	stream.linear.gather @!p1 [hbm4b:s10+s14], $0x80, $0x38;
	[tilespmem:$0x1FB80] =	vst v63  }
0x106: {  	_ =	swait.ge @!p1 [sflag:s11], $0x4000  }
0x107: {  	s16 =	simm.s32 @!p1 $0x9;
	s10 =	rddreg [dreg:$0xa];
	[sflag:s11] =	ssyncset.done @!p1 $0x0  }
0x108: {  	[sflag:s11] =	ssyncadd.s32 @!p1 $0xFFFFC000;
	s11 =	simm.s32 @!p1 $0x280;
	s9 =	sadd.s32 @!p1 s9, s10  }
0x109: {  	[tilespmem:s11], [sflag:$0x9] =	stream.linear.gather @!p1 [hbm4b:s9+s14], $0x80, $0x38;
	[tilespmem:$0x1FB80] =	vst v63  }
0x10a: {  	_ =	swait.ge @!p1 [sflag:s16], $0x80  }
0x10b: {  	[sflag:s16] =	ssyncset.done @!p1 $0x0  }
0x10c: {  	[sflag:s16] =	ssyncadd.s32 @!p1 $0xFFFFFF80  }
0x10d: {  	_ =	swait.ge @!p1 [sflag:s16], $0x80  }
0x10e: {  	[sflag:s16] =	ssyncset.done @!p1 $0x0  }
0x10f: {  	s10 =	simm.s32 @!p1 $0x80;
	s9 =	simm.s32 @!p1 $0x8300;
	[sflag:s16] =	ssyncadd.s32 @!p1 $0xFFFFFF80  }
0x110: {  	[tilespmem:s9], [sflag:$0x3] =	stream.indirect.gather @!p1 [hbm4b:s1+s10], $0x80, s15, s10, $0xb8;
	[tilespmem:$0x1FB80] =	vst v63  }
0x111: {  	_ =	swait.ge [sflag:s23], $0x4000  }
0x112: {  	[sflag:s23] =	ssyncset.done $0x0  }
0x113: {  	[sflag:s23] =	ssyncadd.s32 $0xFFFFC000  }
0x114: {  	_ =	swait.ge [sflag:s28], $0x4000  }
0x115: {  	[sflag:s28] =	ssyncset.done $0x0  }
0x116: {  	[sflag:s28] =	ssyncadd.s32 $0xFFFFC000  }
0x117: {  	_ =	swait.ge [sflag:s3], $0x4000  }
0x118: {  	[sflag:s3] =	ssyncset.done $0x0  }
0x119: {  	[sflag:s3] =	ssyncadd.s32 $0xFFFFC000  }
0x11a: {  	[bflag:$0x0] =	sbarrier.arrive $0xFFFF  }
0x11b: {  	s9 =	sshrl.u32 @p0 s12, $0x3;
	s10 =	simm.s32 @p0 $0x1FCA;
	s11 =	rddreg [dreg:$0x16]  }
0x11c: {  	[hbm:s11], [sflag:s10] =	dma.local @p0 [spmem:s9], $0x2080  }
0x11d: {  	s9 =	simm.s32 @p0 $0xA  }
0x11e: {  	s10 =	stileid.u32;
	_ =	swait.ge @p0 [sflag:s9], $0x2080  }
0x11f: {  	s10 =	sshll.u32 @!p0 s10, $0x6;
	[sflag:s9] =	ssyncset.done @p0 $0x0;
	s11 =	rddreg [dreg:$0x15]  }
0x120: {  	[sflag:s9] =	ssyncadd.s32 @p0 $0xFFFFDF80;
	s9 =	sor.u32 @!p0 $0x1C0A, s10;
	s10 =	sshrl.u32 @!p0 s12, $0x3  }
0x121: {  	[hbm:s11], [sflag:s9] =	dma.local @!p0 [spmem:s10], $0x2780  }
0x122: {  	s9 =	simm.s32 @!p0 $0xA  }
0x123: {  	_ =	swait.ge @!p0 [sflag:s9], $0x2780  }
0x124: {  	s8 =	sadd.s32 $0x1, s8;
	s26 =	rddreg [dreg:$0x17]  }
0x125: {  	p1 =	sne.s32 s8, s26  }
.Ltmp2:
0x126: {  	_ = 	snop;
	(pc) =	sbr.rel @p1 .LBB2_1-.Ltmp2, $3  }
0x127: {  	_ =	sdelay $0x1  }
0x128: {  	[sflag:s9] =	ssyncset.done @!p0 $0x0  }
0x129: {  	s11 =	simm.s32 $0x100;
	[sflag:s9] =	ssyncadd.s32 @!p0 $0xFFFFD880  }
0x12a: {  	_ =	sfence.sel $0x180000  }
0x12b: {  	[bflag:$0x0] =	sbarrier.arrive $0xFFFF  }
0x12c: {  	_ =	strace $0x9000004A  }
0x12d: {  	s0 =	stileid.u32;
	[bflag:$0x2] =	sbarrier.arrive $0xFFFF  }
0x12e: {  	p0 =	sne.s32 s0, $0x0;
	s0 =	rddreg [dreg:$0x3]  }
0x12f: {  	s0 =	sadd.s32 @!p0 $0x100000, s0  }
0x130: {  	[sflag:s0] =	ssyncadd.tile.s32 @!p0 $0x1;
	_ =	shalt  }
.Lfunc_end2:
_tile_overlayer_lowered:
.L_overlay_start_2:
0x131: {  	(tag) =	ssettag $0x2  }
0x132: {  	s0 =	rddreg [dreg:$0x0];
	s2 =	stileid.u32  }
0x133: {  	s1 =	rddreg [dreg:$0x1];
	p0 =	sne.s32 s2, $0x0  }
0x134: {  	s3 =	rddreg [dreg:$0x2];
	[bflag:$0x3] =	sbarrier.arrive $0xFFFF;
	s2 =	simm.s32 @!p0 $0x1C0A  }
0x135: {  	[timem:s3], [sflag:s2] =	dma.local @!p0 [hbm:s0], s1  }
0x136: {  	s0 =	simm.s32 @!p0 $0xA  }
0x137: {  	_ =	swait.ge @!p0 [sflag:s0], s1  }
0x138: {  	s1 =	ssub.s32 @!p0 $0x0, s1;
	[sflag:s0] =	ssyncset.done @!p0 $0x0  }
0x139: {  	[sflag:s0] =	ssyncadd.s32 @!p0 s1  }
0x13a: {  	[bflag:$0x3] =	sbarrier.arrive $0xFFFF  }
0x13b: {  	_ =	shalt  }

</sc_bundles>
